<compile_context>
chip_gen: v7x
topology: tpu7x:2x2x1
jax: 0.10.2.dev20260603
libtpu: 0.0.44.dev20260713+nightly
codegen_flags: <defaults>
</compile_context>

<pallas_src>
import functools

import jax
import jax.numpy as jnp
from jax import lax
from jax.experimental import pallas as pl
from jax.experimental.pallas import tpu as pltpu
from jax.experimental.pallas import tpu_sc as plsc

N = 10000
E = 320000
RANK = 128
ORDER = 3
BN_EPS = 1e-5
BS = 100
FLOW = 100

NC = 2
NS = 16
NW = NC * NS
CHUNK = 128
EPW_CHUNKS = 80
E_PAD = NW * EPW_CHUNKS * CHUNK
N_PAD = 10240
ROWS_PER_SUB = N_PAD // NS
INIT_CHUNKS = ROWS_PER_SUB // CHUNK


def _sc_body(x_hbm, src_hbm, dst_hbm, z_hbm, out_hbm, idx_s, idx_d, rows,
             acc, sem):
    c = lax.axis_index("c")
    s = lax.axis_index("s")
    wid = s * NC + c

    pltpu.sync_copy(src_hbm.at[pl.ds(wid * EPW_CHUNKS, EPW_CHUNKS)], idx_s)
    pltpu.sync_copy(dst_hbm.at[pl.ds(wid * EPW_CHUNKS, EPW_CHUNKS)], idx_d)

    pltpu.sync_copy(z_hbm, rows)

    def init_step(k, carry):
        r0 = s * ROWS_PER_SUB + k * CHUNK
        pltpu.sync_copy(rows, acc.at[pl.ds(r0, CHUNK)])
        return carry

    lax.fori_loop(0, INIT_CHUNKS, init_step, 0)
    plsc.subcore_barrier()

    def edge_step(j, carry):
        pltpu.async_copy(x_hbm.at[idx_s.at[j]], rows, sem).wait()
        pltpu.sync_copy(rows, acc.at[idx_d.at[j]], add=True)
        return carry

    lax.fori_loop(0, EPW_CHUNKS, edge_step, 0)
    plsc.subcore_barrier()

    def out_step(k, carry):
        r0 = s * ROWS_PER_SUB + k * CHUNK
        pltpu.sync_copy(acc.at[pl.ds(r0, CHUNK)], rows)
        pltpu.sync_copy(rows, out_hbm.at[c, pl.ds(r0, CHUNK)])
        return carry

    lax.fori_loop(0, INIT_CHUNKS, out_step, 0)


@functools.cache
def _sc_gather_scatter():
    return pl.kernel(
        _sc_body,
        out_type=jax.ShapeDtypeStruct((NC, N_PAD, RANK), jnp.float32),
        mesh=plsc.VectorSubcoreMesh(core_axis_name="c", subcore_axis_name="s",
                                    num_cores=NC, num_subcores=NS),
        scratch_types=[
            pltpu.VMEM((EPW_CHUNKS, CHUNK), jnp.int32),
            pltpu.VMEM((EPW_CHUNKS, CHUNK), jnp.int32),
            pltpu.VMEM((CHUNK, RANK), jnp.float32),
            pltpu.VMEM_SHARED((N_PAD, RANK), jnp.float32),
            pltpu.SemaphoreType.DMA,
        ],
    )


def _enc_body(feats_ref, wenc_ref, benc_ref, out_ref):
    out_ref[:, :] = feats_ref[:, :] * wenc_ref[0, :] + benc_ref[:]


def _encoder(feats_pad, W_enc, b_enc):
    return pl.pallas_call(
        _enc_body,
        out_shape=jax.ShapeDtypeStruct((N_PAD, RANK), jnp.float32),
    )(feats_pad, W_enc, b_enc)


def _lin1_body(x_ref, p_ref, W_ref, b_ref, z_ref):
    h = x_ref[:, :] + p_ref[0] + p_ref[1]
    z_ref[:, :] = jnp.maximum(
        jnp.dot(h, W_ref[:, :], preferred_element_type=jnp.float32)
        + b_ref[:], 0.0)


def _lin1(x, p, W, b):
    return pl.pallas_call(
        _lin1_body,
        out_shape=jax.ShapeDtypeStruct((N_PAD, RANK), jnp.float32),
    )(x, p, W, b)


def _lin_body(z_ref, m_ref, s_ref, g_ref, be_ref, W_ref, b_ref, z_out):
    h = (z_ref[:, :] - m_ref[:]) / s_ref[:] * g_ref[:] + be_ref[:]
    z_out[:, :] = jnp.maximum(
        jnp.dot(h, W_ref[:, :], preferred_element_type=jnp.float32)
        + b_ref[:], 0.0)


def _lin(z, m, s, g, be, W, b):
    return pl.pallas_call(
        _lin_body,
        out_shape=jax.ShapeDtypeStruct((N_PAD, RANK), jnp.float32),
    )(z, m, s, g, be, W, b)


def _fin_body(z_ref, m_ref, s_ref, g_ref, be_ref, wc_ref, bc_ref,
              xout_ref, yp_ref):
    xnorm = (z_ref[:, :] - m_ref[:]) / s_ref[:] * g_ref[:] + be_ref[:]
    xout_ref[:, :] = xnorm
    gsel = (lax.broadcasted_iota(jnp.int32, (BS, N_PAD), 1) // FLOW
            == lax.broadcasted_iota(jnp.int32, (BS, N_PAD), 0))
    r = jnp.dot(gsel.astype(jnp.float32), xnorm,
                preferred_element_type=jnp.float32)
    yp_ref[:, :] = (jnp.dot(r, wc_ref[:, :], preferred_element_type=jnp.float32)
                    + bc_ref[:])


def _fin(z, m, s, g, be, wc, bc):
    return pl.pallas_call(
        _fin_body,
        out_shape=(
            jax.ShapeDtypeStruct((N_PAD, RANK), jnp.float32),
            jax.ShapeDtypeStruct((BS, wc.shape[1]), jnp.float32),
        ),
    )(z, m, s, g, be, wc, bc)


def _stats(z):
    zr = z[:N]
    return jnp.mean(zr, axis=0), jnp.sqrt(jnp.var(zr, axis=0) + BN_EPS)


def kernel(feats, edge_index, W_enc, b_enc, W_gin, b_gin, gamma, beta,
           W_cls, b_cls):
    src = edge_index[0].astype(jnp.int32)
    dst = edge_index[1].astype(jnp.int32)
    perm = jnp.argsort(dst, stable=True)
    src = src[perm]
    dst = dst[perm]
    pad_e = E_PAD - E
    pad_idx = N + (jnp.arange(pad_e, dtype=jnp.int32) % (N_PAD - N))
    src_p = jnp.concatenate([src, pad_idx]).reshape(NW * EPW_CHUNKS, CHUNK)
    dst_p = jnp.concatenate([dst, pad_idx]).reshape(NW * EPW_CHUNKS, CHUNK)
    feats_p = jnp.concatenate(
        [feats.reshape(N, 1), jnp.zeros((N_PAD - N, 1), jnp.float32)], axis=0)
    zrows = jnp.zeros((CHUNK, RANK), jnp.float32)

    x = _encoder(feats_p, W_enc, b_enc)
    zeros_bc = jnp.zeros_like(b_cls)
    y = None
    for i in range(ORDER):
        p = _sc_gather_scatter()(x, src_p, dst_p, zrows)
        z = _lin1(x, p, W_gin[i, 0], b_gin[i, 0])
        for j in range(2):
            m, sd = _stats(z)
            z = _lin(z, m, sd, gamma[i, j], beta[i, j],
                     W_gin[i, j + 1], b_gin[i, j + 1])
        m, sd = _stats(z)
        bc_i = b_cls if i == 0 else zeros_bc
        x, yp = _fin(z, m, sd, gamma[i, 2], beta[i, 2],
                     W_cls[i * RANK:(i + 1) * RANK], bc_i)
        y = yp if y is None else y + yp
    return y

# --- scband reference (transcript-rebuilt; emitter-appended) ---
"""Pipeline reference for scband-graph-io-t-71055938945215 (READ-ONLY COPY).

The authoritative reference and input builder live on the scoring server;
editing this copy changes nothing except your own understanding.
"""

import jax, jax.numpy as jnp
import numpy as np

N = 10000
E = 320000
RANK = 128
MAX_FLOW_LENGTH = 100
NUM_CLASSES = 10
ORDER = 3
BN_EPS = 1e-5


def setup_inputs(seed: int = 0) -> dict:
    key = jax.random.key(seed)
    ks = jax.random.split(key, 10)
    feats = jax.random.normal(ks[0], (N, 1), dtype=jnp.float32)
    edge_index = jax.random.randint(ks[1], (2, E), 0, N)
    # learned parameters
    W_enc = jax.random.normal(ks[2], (1, RANK), dtype=jnp.float32) * 0.1
    b_enc = jnp.zeros((RANK,), dtype=jnp.float32)
    # 3 GIN layers, each MLP has 3 Linear(rank, rank) sublayers with BatchNorm1d
    W_gin = jax.random.normal(ks[3], (ORDER, 3, RANK, RANK), dtype=jnp.float32) * (1.0 / np.sqrt(RANK))
    b_gin = jnp.zeros((ORDER, 3, RANK), dtype=jnp.float32)
    gamma = jnp.ones((ORDER, 3, RANK), dtype=jnp.float32)
    beta = jnp.zeros((ORDER, 3, RANK), dtype=jnp.float32)
    W_cls = jax.random.normal(ks[4], (RANK * ORDER, NUM_CLASSES), dtype=jnp.float32) * 0.05
    b_cls = jnp.zeros((NUM_CLASSES,), dtype=jnp.float32)
    return {
        "feats": feats,
        "edge_index": edge_index,
        "W_enc": W_enc,
        "b_enc": b_enc,
        "W_gin": W_gin,
        "b_gin": b_gin,
        "gamma": gamma,
        "beta": beta,
        "W_cls": W_cls,
        "b_cls": b_cls,
    }


def _mlp(h, W_gin_i, b_gin_i, gamma_i, beta_i):
    # MLP: 3 x [Linear -> Dropout(identity at inference) -> ReLU -> BatchNorm1d]
    for j in range(3):
        h = h @ W_gin_i[j] + b_gin_i[j]
        h = jax.nn.relu(h)
        mean = jnp.mean(h, axis=0)
        var = jnp.var(h, axis=0)
        h = (h - mean) / jnp.sqrt(var + BN_EPS) * gamma_i[j] + beta_i[j]
    return h


def reference(feats, edge_index, W_enc, b_enc, W_gin, b_gin, gamma, beta, W_cls, b_cls):
    # seq_encoder: Linear(1, rank)
    x = feats.reshape(-1, 1) @ W_enc + b_enc  # [N, RANK]
    bs = N // MAX_FLOW_LENGTH
    src = edge_index[0]
    dst = edge_index[1]
    readouts = []
    for i in range(ORDER):
        # GINConv with sum aggregation, eps=0: h = x_dst + sum_{src->dst} x_src
        msgs = jnp.take(x, src, axis=0)  # gather [E, RANK]
        agg = jax.ops.segment_sum(msgs, dst, num_segments=N)  # scatter-add
        h = x + agg
        x = _mlp(h, W_gin[i], b_gin[i], gamma[i], beta[i])
        r = jnp.sum(x.reshape(bs, -1, RANK), axis=1)  # graph readout [bs, RANK]
        readouts.append(r)
    all_readout = jnp.concatenate(readouts, axis=-1)  # [bs, RANK*ORDER]
    y = all_readout @ W_cls + b_cls
    return y

if __name__ == "__main__":
    import jax
    _d = setup_inputs()
    print(jax.jit(kernel)(*tuple(_d.values())))

</pallas_src>

<mosaic_0001>
#map = affine_map<(d0, d1) -> (0, 0)>
#map1 = affine_map<(d0, d1) -> (0, 0, 0)>
module attributes {stable_mosaic.version = 14 : i64} {
  func.func @_sc_body(%arg0: i32, %arg1: i32, %arg2: memref<10240x128xf32, #tpu.memory_space<hbm>>, %arg3: memref<2560x128xi32, #tpu.memory_space<hbm>>, %arg4: memref<2560x128xi32, #tpu.memory_space<hbm>>, %arg5: memref<128x128xf32, #tpu.memory_space<hbm>>, %arg6: memref<2x10240x128xf32, #tpu.memory_space<hbm>>, %arg7: memref<80x128xi32, #tpu.memory_space<vmem>>, %arg8: memref<80x128xi32, #tpu.memory_space<vmem>>, %arg9: memref<128x128xf32, #tpu.memory_space<vmem>>, %arg10: memref<10240x128xf32, #tpu.memory_space<vmem_shared>>, %arg11: memref<!tpu.dma_semaphore, #tpu.memory_space<semaphore_mem>>) attributes {dimension_semantics = [#tpu.dimension_semantics<core_parallel>, #tpu.dimension_semantics<subcore_parallel>], iteration_bounds = array<i64: 2, 16>, scalar_prefetch = 0 : i64, scratch_operands = 5 : i64, tpu.core_type = #tpu.core_type<sc_vector_subcore>, window_params = [{transform_indices = #map}, {transform_indices = #map}, {transform_indices = #map}, {transform_indices = #map}, {transform_indices = #map1}]} {
    %mul3A = arith.constant 2 : i32
    %mul3A_0 = arith.muli %arg1, %mul3A : i32
    %add3A = arith.addi %mul3A_0, %arg0 : i32
    %mul3A_1 = arith.constant 80 : i32
    %mul3A_2 = arith.muli %add3A, %mul3A_1 : i32
    "tpu.region"() ({
      %run_scoped3A = tpu.sem_alloc : memref<!tpu.dma_semaphore, #tpu.memory_space<semaphore_mem>>
      %dma_start3A = arith.constant 0 : i32
      %dma_start3A_23 = tpu.memref_slice %arg3[%mul3A_2, %dma_start3A] : memref<2560x128xi32, #tpu.memory_space<hbm>> -> memref<80x128xi32, #tpu.memory_space<hbm>>
      %dma_start3A_24 = arith.constant 0 : i32
      %dma_start3A_25 = tpu.memref_slice %arg3[%mul3A_2, %dma_start3A_24] : memref<2560x128xi32, #tpu.memory_space<hbm>> -> memref<80x128xi32, #tpu.memory_space<hbm>>
      tpu.enqueue_dma source(%dma_start3A_25 : memref<80x128xi32, #tpu.memory_space<hbm>>) target(%arg7 : memref<80x128xi32, #tpu.memory_space<vmem>>) target_semaphore(%run_scoped3A : memref<!tpu.dma_semaphore, #tpu.memory_space<semaphore_mem>>)
      %dma_wait3A = arith.constant 0 : i32
      %dma_wait3A_26 = tpu.memref_slice %arg3[%mul3A_2, %dma_wait3A] : memref<2560x128xi32, #tpu.memory_space<hbm>> -> memref<80x128xi32, #tpu.memory_space<hbm>>
      %dma_wait3A_27 = arith.constant 0 : i32
      %dma_wait3A_28 = tpu.memref_slice %arg3[%mul3A_2, %dma_wait3A_27] : memref<2560x128xi32, #tpu.memory_space<hbm>> -> memref<80x128xi32, #tpu.memory_space<hbm>>
      tpu.wait_dma2 semaphore(%run_scoped3A : memref<!tpu.dma_semaphore, #tpu.memory_space<semaphore_mem>>) src(%dma_wait3A_28 : memref<80x128xi32, #tpu.memory_space<hbm>>) dst(%arg7 : memref<80x128xi32, #tpu.memory_space<vmem>>)
      tpu.yield
    }) : () -> ()
    %mul3A_3 = arith.constant 80 : i32
    %mul3A_4 = arith.muli %add3A, %mul3A_3 : i32
    "tpu.region"() ({
      %run_scoped3A = tpu.sem_alloc : memref<!tpu.dma_semaphore, #tpu.memory_space<semaphore_mem>>
      %dma_start3A = arith.constant 0 : i32
      %dma_start3A_23 = tpu.memref_slice %arg4[%mul3A_4, %dma_start3A] : memref<2560x128xi32, #tpu.memory_space<hbm>> -> memref<80x128xi32, #tpu.memory_space<hbm>>
      %dma_start3A_24 = arith.constant 0 : i32
      %dma_start3A_25 = tpu.memref_slice %arg4[%mul3A_4, %dma_start3A_24] : memref<2560x128xi32, #tpu.memory_space<hbm>> -> memref<80x128xi32, #tpu.memory_space<hbm>>
      tpu.enqueue_dma source(%dma_start3A_25 : memref<80x128xi32, #tpu.memory_space<hbm>>) target(%arg8 : memref<80x128xi32, #tpu.memory_space<vmem>>) target_semaphore(%run_scoped3A : memref<!tpu.dma_semaphore, #tpu.memory_space<semaphore_mem>>)
      %dma_wait3A = arith.constant 0 : i32
      %dma_wait3A_26 = tpu.memref_slice %arg4[%mul3A_4, %dma_wait3A] : memref<2560x128xi32, #tpu.memory_space<hbm>> -> memref<80x128xi32, #tpu.memory_space<hbm>>
      %dma_wait3A_27 = arith.constant 0 : i32
      %dma_wait3A_28 = tpu.memref_slice %arg4[%mul3A_4, %dma_wait3A_27] : memref<2560x128xi32, #tpu.memory_space<hbm>> -> memref<80x128xi32, #tpu.memory_space<hbm>>
      tpu.wait_dma2 semaphore(%run_scoped3A : memref<!tpu.dma_semaphore, #tpu.memory_space<semaphore_mem>>) src(%dma_wait3A_28 : memref<80x128xi32, #tpu.memory_space<hbm>>) dst(%arg8 : memref<80x128xi32, #tpu.memory_space<vmem>>)
      tpu.yield
    }) : () -> ()
    "tpu.region"() ({
      %run_scoped3A = tpu.sem_alloc : memref<!tpu.dma_semaphore, #tpu.memory_space<semaphore_mem>>
      tpu.enqueue_dma source(%arg5 : memref<128x128xf32, #tpu.memory_space<hbm>>) target(%arg9 : memref<128x128xf32, #tpu.memory_space<vmem>>) target_semaphore(%run_scoped3A : memref<!tpu.dma_semaphore, #tpu.memory_space<semaphore_mem>>)
      tpu.wait_dma2 semaphore(%run_scoped3A : memref<!tpu.dma_semaphore, #tpu.memory_space<semaphore_mem>>) src(%arg5 : memref<128x128xf32, #tpu.memory_space<hbm>>) dst(%arg9 : memref<128x128xf32, #tpu.memory_space<vmem>>)
      tpu.yield
    }) : () -> ()
    %scan3A = arith.constant 0 : i32
    %scan3A_5 = arith.constant 0 : i32
    %scan3A_6 = arith.constant 5 : i32
    %scan3A_7 = arith.addi %scan3A_5, %scan3A_6 : i32
    %scan3A_8 = arith.constant 1 : i32
    scf.for %scan3A_23 = %scan3A_5 to %scan3A_7 step %scan3A_8  : i32 {
      %mul3A_24 = arith.constant 640 : i32
      %mul3A_25 = arith.muli %arg1, %mul3A_24 : i32
      %mul3A_26 = arith.constant 128 : i32
      %mul3A_27 = arith.muli %scan3A_23, %mul3A_26 : i32
      %add3A_28 = arith.addi %mul3A_25, %mul3A_27 : i32
      "tpu.region"() ({
        %run_scoped3A = tpu.sem_alloc : memref<!tpu.dma_semaphore, #tpu.memory_space<semaphore_mem>>
        %dma_start3A = arith.constant 0 : i32
        %dma_start3A_29 = tpu.memref_slice %arg10[%add3A_28, %dma_start3A] : memref<10240x128xf32, #tpu.memory_space<vmem_shared>> -> memref<128x128xf32, #tpu.memory_space<vmem_shared>>
        %dma_start3A_30 = arith.constant 0 : i32
        %dma_start3A_31 = tpu.memref_slice %arg10[%add3A_28, %dma_start3A_30] : memref<10240x128xf32, #tpu.memory_space<vmem_shared>> -> memref<128x128xf32, #tpu.memory_space<vmem_shared>>
        tpu.enqueue_dma source(%arg9 : memref<128x128xf32, #tpu.memory_space<vmem>>) target(%dma_start3A_31 : memref<128x128xf32, #tpu.memory_space<vmem_shared>>) target_semaphore(%run_scoped3A : memref<!tpu.dma_semaphore, #tpu.memory_space<semaphore_mem>>)
        %dma_wait3A = arith.constant 0 : i32
        %dma_wait3A_32 = tpu.memref_slice %arg10[%add3A_28, %dma_wait3A] : memref<10240x128xf32, #tpu.memory_space<vmem_shared>> -> memref<128x128xf32, #tpu.memory_space<vmem_shared>>
        %dma_wait3A_33 = arith.constant 0 : i32
        %dma_wait3A_34 = tpu.memref_slice %arg10[%add3A_28, %dma_wait3A_33] : memref<10240x128xf32, #tpu.memory_space<vmem_shared>> -> memref<128x128xf32, #tpu.memory_space<vmem_shared>>
        tpu.wait_dma2 semaphore(%run_scoped3A : memref<!tpu.dma_semaphore, #tpu.memory_space<semaphore_mem>>) src(%arg9 : memref<128x128xf32, #tpu.memory_space<vmem>>) dst(%dma_wait3A_34 : memref<128x128xf32, #tpu.memory_space<vmem_shared>>)
        tpu.yield
      }) : () -> ()
    }
    %scan3A_9 = arith.constant 5 : i32
    %barrier3A = arith.constant 0 : index
    tpu.barrier barrier_id(%barrier3A)
    %scan3A_10 = arith.constant 0 : i32
    %scan3A_11 = arith.constant 0 : i32
    %scan3A_12 = arith.constant 80 : i32
    %scan3A_13 = arith.addi %scan3A_11, %scan3A_12 : i32
    %scan3A_14 = arith.constant 1 : i32
    scf.for %scan3A_23 = %scan3A_11 to %scan3A_13 step %scan3A_14  : i32 {
      %dma_start3A = arith.constant 0 : i32
      %dma_start3A_24 = tpu.memref_slice %arg7[%scan3A_23, %dma_start3A] : memref<80x128xi32, #tpu.memory_space<vmem>> -> memref<1x128xi32, #tpu.memory_space<vmem>>
      %dma_start3A_25 = tpu.memref_squeeze %dma_start3A_24 : memref<1x128xi32, #tpu.memory_space<vmem>> -> memref<128xi32, #tpu.memory_space<vmem>>
      %dma_start3A_26 = arith.constant 0 : i32
      %dma_start3A_27 = arith.constant 0 : i32
      %dma_start3A_28 = tpu.memref_slice %arg2[%dma_start3A_26, %dma_start3A_27] : memref<10240x128xf32, #tpu.memory_space<hbm>> -> memref<10240x128xf32, #tpu.memory_space<hbm>>
      tpu.enqueue_indirect_dma source(%dma_start3A_28 : memref<10240x128xf32, #tpu.memory_space<hbm>>) target(%arg9 : memref<128x128xf32, #tpu.memory_space<vmem>>) offsets(%dma_start3A_25 : memref<128xi32, #tpu.memory_space<vmem>>) semaphore(%arg11 : memref<!tpu.dma_semaphore, #tpu.memory_space<semaphore_mem>>)
      %dma_wait3A = arith.constant 0 : i32
      %dma_wait3A_29 = tpu.memref_slice %arg7[%scan3A_23, %dma_wait3A] : memref<80x128xi32, #tpu.memory_space<vmem>> -> memref<1x128xi32, #tpu.memory_space<vmem>>
      %dma_wait3A_30 = tpu.memref_squeeze %dma_wait3A_29 : memref<1x128xi32, #tpu.memory_space<vmem>> -> memref<128xi32, #tpu.memory_space<vmem>>
      %dma_wait3A_31 = arith.constant 0 : i32
      %dma_wait3A_32 = arith.constant 0 : i32
      %dma_wait3A_33 = tpu.memref_slice %arg2[%dma_wait3A_31, %dma_wait3A_32] : memref<10240x128xf32, #tpu.memory_space<hbm>> -> memref<10240x128xf32, #tpu.memory_space<hbm>>
      tpu.wait_indirect_dma semaphore(%arg11 : memref<!tpu.dma_semaphore, #tpu.memory_space<semaphore_mem>>) src(%dma_wait3A_33 : memref<10240x128xf32, #tpu.memory_space<hbm>>) dst(%arg9 : memref<128x128xf32, #tpu.memory_space<vmem>>)
      "tpu.region"() ({
        %run_scoped3A = tpu.sem_alloc : memref<!tpu.dma_semaphore, #tpu.memory_space<semaphore_mem>>
        %dma_start3A_34 = arith.constant 0 : i32
        %dma_start3A_35 = tpu.memref_slice %arg8[%scan3A_23, %dma_start3A_34] : memref<80x128xi32, #tpu.memory_space<vmem>> -> memref<1x128xi32, #tpu.memory_space<vmem>>
        %dma_start3A_36 = tpu.memref_squeeze %dma_start3A_35 : memref<1x128xi32, #tpu.memory_space<vmem>> -> memref<128xi32, #tpu.memory_space<vmem>>
        %dma_start3A_37 = arith.constant 0 : i32
        %dma_start3A_38 = arith.constant 0 : i32
        %dma_start3A_39 = tpu.memref_slice %arg10[%dma_start3A_37, %dma_start3A_38] : memref<10240x128xf32, #tpu.memory_space<vmem_shared>> -> memref<10240x128xf32, #tpu.memory_space<vmem_shared>>
        tpu.enqueue_indirect_dma source(%arg9 : memref<128x128xf32, #tpu.memory_space<vmem>>) target(%dma_start3A_39 : memref<10240x128xf32, #tpu.memory_space<vmem_shared>>) offsets(%dma_start3A_36 : memref<128xi32, #tpu.memory_space<vmem>>) semaphore(%run_scoped3A : memref<!tpu.dma_semaphore, #tpu.memory_space<semaphore_mem>>) {add = true}
        %dma_wait3A_40 = arith.constant 0 : i32
        %dma_wait3A_41 = tpu.memref_slice %arg8[%scan3A_23, %dma_wait3A_40] : memref<80x128xi32, #tpu.memory_space<vmem>> -> memref<1x128xi32, #tpu.memory_space<vmem>>
        %dma_wait3A_42 = tpu.memref_squeeze %dma_wait3A_41 : memref<1x128xi32, #tpu.memory_space<vmem>> -> memref<128xi32, #tpu.memory_space<vmem>>
        %dma_wait3A_43 = arith.constant 0 : i32
        %dma_wait3A_44 = arith.constant 0 : i32
        %dma_wait3A_45 = tpu.memref_slice %arg10[%dma_wait3A_43, %dma_wait3A_44] : memref<10240x128xf32, #tpu.memory_space<vmem_shared>> -> memref<10240x128xf32, #tpu.memory_space<vmem_shared>>
        tpu.wait_indirect_dma semaphore(%run_scoped3A : memref<!tpu.dma_semaphore, #tpu.memory_space<semaphore_mem>>) src(%arg9 : memref<128x128xf32, #tpu.memory_space<vmem>>) dst(%dma_wait3A_45 : memref<10240x128xf32, #tpu.memory_space<vmem_shared>>)
        tpu.yield
      }) : () -> ()
    }
    %scan3A_15 = arith.constant 80 : i32
    %barrier3A_16 = arith.constant 0 : index
    tpu.barrier barrier_id(%barrier3A_16)
    %scan3A_17 = arith.constant 0 : i32
    %scan3A_18 = arith.constant 0 : i32
    %scan3A_19 = arith.constant 5 : i32
    %scan3A_20 = arith.addi %scan3A_18, %scan3A_19 : i32
    %scan3A_21 = arith.constant 1 : i32
    scf.for %scan3A_23 = %scan3A_18 to %scan3A_20 step %scan3A_21  : i32 {
      %mul3A_24 = arith.constant 640 : i32
      %mul3A_25 = arith.muli %arg1, %mul3A_24 : i32
      %mul3A_26 = arith.constant 128 : i32
      %mul3A_27 = arith.muli %scan3A_23, %mul3A_26 : i32
      %add3A_28 = arith.addi %mul3A_25, %mul3A_27 : i32
      "tpu.region"() ({
        %run_scoped3A = tpu.sem_alloc : memref<!tpu.dma_semaphore, #tpu.memory_space<semaphore_mem>>
        %dma_start3A = arith.constant 0 : i32
        %dma_start3A_29 = tpu.memref_slice %arg10[%add3A_28, %dma_start3A] : memref<10240x128xf32, #tpu.memory_space<vmem_shared>> -> memref<128x128xf32, #tpu.memory_space<vmem_shared>>
        %dma_start3A_30 = arith.constant 0 : i32
        %dma_start3A_31 = tpu.memref_slice %arg10[%add3A_28, %dma_start3A_30] : memref<10240x128xf32, #tpu.memory_space<vmem_shared>> -> memref<128x128xf32, #tpu.memory_space<vmem_shared>>
        tpu.enqueue_dma source(%dma_start3A_31 : memref<128x128xf32, #tpu.memory_space<vmem_shared>>) target(%arg9 : memref<128x128xf32, #tpu.memory_space<vmem>>) target_semaphore(%run_scoped3A : memref<!tpu.dma_semaphore, #tpu.memory_space<semaphore_mem>>)
        %dma_wait3A = arith.constant 0 : i32
        %dma_wait3A_32 = tpu.memref_slice %arg10[%add3A_28, %dma_wait3A] : memref<10240x128xf32, #tpu.memory_space<vmem_shared>> -> memref<128x128xf32, #tpu.memory_space<vmem_shared>>
        %dma_wait3A_33 = arith.constant 0 : i32
        %dma_wait3A_34 = tpu.memref_slice %arg10[%add3A_28, %dma_wait3A_33] : memref<10240x128xf32, #tpu.memory_space<vmem_shared>> -> memref<128x128xf32, #tpu.memory_space<vmem_shared>>
        tpu.wait_dma2 semaphore(%run_scoped3A : memref<!tpu.dma_semaphore, #tpu.memory_space<semaphore_mem>>) src(%dma_wait3A_34 : memref<128x128xf32, #tpu.memory_space<vmem_shared>>) dst(%arg9 : memref<128x128xf32, #tpu.memory_space<vmem>>)
        tpu.yield
      }) : () -> ()
      "tpu.region"() ({
        %run_scoped3A = tpu.sem_alloc : memref<!tpu.dma_semaphore, #tpu.memory_space<semaphore_mem>>
        %dma_start3A = arith.constant 0 : i32
        %dma_start3A_29 = tpu.memref_slice %arg6[%arg0, %add3A_28, %dma_start3A] : memref<2x10240x128xf32, #tpu.memory_space<hbm>> -> memref<1x128x128xf32, #tpu.memory_space<hbm>>
        %dma_start3A_30 = tpu.memref_squeeze %dma_start3A_29 : memref<1x128x128xf32, #tpu.memory_space<hbm>> -> memref<128x128xf32, #tpu.memory_space<hbm>>
        %dma_start3A_31 = arith.constant 0 : i32
        %dma_start3A_32 = tpu.memref_slice %arg6[%arg0, %add3A_28, %dma_start3A_31] : memref<2x10240x128xf32, #tpu.memory_space<hbm>> -> memref<1x128x128xf32, #tpu.memory_space<hbm>>
        %dma_start3A_33 = tpu.memref_squeeze %dma_start3A_32 : memref<1x128x128xf32, #tpu.memory_space<hbm>> -> memref<128x128xf32, #tpu.memory_space<hbm>>
        tpu.enqueue_dma source(%arg9 : memref<128x128xf32, #tpu.memory_space<vmem>>) target(%dma_start3A_33 : memref<128x128xf32, #tpu.memory_space<hbm>>) target_semaphore(%run_scoped3A : memref<!tpu.dma_semaphore, #tpu.memory_space<semaphore_mem>>)
        %dma_wait3A = arith.constant 0 : i32
        %dma_wait3A_34 = tpu.memref_slice %arg6[%arg0, %add3A_28, %dma_wait3A] : memref<2x10240x128xf32, #tpu.memory_space<hbm>> -> memref<1x128x128xf32, #tpu.memory_space<hbm>>
        %dma_wait3A_35 = tpu.memref_squeeze %dma_wait3A_34 : memref<1x128x128xf32, #tpu.memory_space<hbm>> -> memref<128x128xf32, #tpu.memory_space<hbm>>
        %dma_wait3A_36 = arith.constant 0 : i32
        %dma_wait3A_37 = tpu.memref_slice %arg6[%arg0, %add3A_28, %dma_wait3A_36] : memref<2x10240x128xf32, #tpu.memory_space<hbm>> -> memref<1x128x128xf32, #tpu.memory_space<hbm>>
        %dma_wait3A_38 = tpu.memref_squeeze %dma_wait3A_37 : memref<1x128x128xf32, #tpu.memory_space<hbm>> -> memref<128x128xf32, #tpu.memory_space<hbm>>
        tpu.wait_dma2 semaphore(%run_scoped3A : memref<!tpu.dma_semaphore, #tpu.memory_space<semaphore_mem>>) src(%arg9 : memref<128x128xf32, #tpu.memory_space<vmem>>) dst(%dma_wait3A_38 : memref<128x128xf32, #tpu.memory_space<hbm>>)
        tpu.yield
      }) : () -> ()
    }
    %scan3A_22 = arith.constant 5 : i32
    return
  }
}

#map = affine_map<(d0, d1) -> (0, 0)>
#map1 = affine_map<(d0, d1) -> (0, 0, 0)>
module attributes {stable_mosaic.version = 14 : i64} {
  func.func @_sc_body(%arg0: i32, %arg1: i32, %arg2: memref<10240x128xf32, #tpu.memory_space<hbm>>, %arg3: memref<2560x128xi32, #tpu.memory_space<hbm>>, %arg4: memref<2560x128xi32, #tpu.memory_space<hbm>>, %arg5: memref<128x128xf32, #tpu.memory_space<hbm>>, %arg6: memref<2x10240x128xf32, #tpu.memory_space<hbm>>, %arg7: memref<80x128xi32, #tpu.memory_space<vmem>>, %arg8: memref<80x128xi32, #tpu.memory_space<vmem>>, %arg9: memref<128x128xf32, #tpu.memory_space<vmem>>, %arg10: memref<10240x128xf32, #tpu.memory_space<vmem_shared>>, %arg11: memref<!tpu.dma_semaphore, #tpu.memory_space<semaphore_mem>>) attributes {dimension_semantics = [#tpu.dimension_semantics<core_parallel>, #tpu.dimension_semantics<subcore_parallel>], iteration_bounds = array<i64: 2, 16>, scalar_prefetch = 0 : i64, scratch_operands = 5 : i64, tpu.core_type = #tpu.core_type<sc_vector_subcore>, window_params = [{transform_indices = #map}, {transform_indices = #map}, {transform_indices = #map}, {transform_indices = #map}, {transform_indices = #map1}]} {
    %mul3A = arith.constant 2 : i32
    %mul3A_0 = arith.muli %arg1, %mul3A : i32
    %add3A = arith.addi %mul3A_0, %arg0 : i32
    %mul3A_1 = arith.constant 80 : i32
    %mul3A_2 = arith.muli %add3A, %mul3A_1 : i32
    "tpu.region"() ({
      %run_scoped3A = tpu.sem_alloc : memref<!tpu.dma_semaphore, #tpu.memory_space<semaphore_mem>>
      %dma_start3A = arith.constant 0 : i32
      %dma_start3A_23 = tpu.memref_slice %arg3[%mul3A_2, %dma_start3A] : memref<2560x128xi32, #tpu.memory_space<hbm>> -> memref<80x128xi32, #tpu.memory_space<hbm>>
      %dma_start3A_24 = arith.constant 0 : i32
      %dma_start3A_25 = tpu.memref_slice %arg3[%mul3A_2, %dma_start3A_24] : memref<2560x128xi32, #tpu.memory_space<hbm>> -> memref<80x128xi32, #tpu.memory_space<hbm>>
      tpu.enqueue_dma source(%dma_start3A_25 : memref<80x128xi32, #tpu.memory_space<hbm>>) target(%arg7 : memref<80x128xi32, #tpu.memory_space<vmem>>) target_semaphore(%run_scoped3A : memref<!tpu.dma_semaphore, #tpu.memory_space<semaphore_mem>>)
      %dma_wait3A = arith.constant 0 : i32
      %dma_wait3A_26 = tpu.memref_slice %arg3[%mul3A_2, %dma_wait3A] : memref<2560x128xi32, #tpu.memory_space<hbm>> -> memref<80x128xi32, #tpu.memory_space<hbm>>
      %dma_wait3A_27 = arith.constant 0 : i32
      %dma_wait3A_28 = tpu.memref_slice %arg3[%mul3A_2, %dma_wait3A_27] : memref<2560x128xi32, #tpu.memory_space<hbm>> -> memref<80x128xi32, #tpu.memory_space<hbm>>
      tpu.wait_dma2 semaphore(%run_scoped3A : memref<!tpu.dma_semaphore, #tpu.memory_space<semaphore_mem>>) src(%dma_wait3A_28 : memref<80x128xi32, #tpu.memory_space<hbm>>) dst(%arg7 : memref<80x128xi32, #tpu.memory_space<vmem>>)
      tpu.yield
    }) : () -> ()
    %mul3A_3 = arith.constant 80 : i32
    %mul3A_4 = arith.muli %add3A, %mul3A_3 : i32
    "tpu.region"() ({
      %run_scoped3A = tpu.sem_alloc : memref<!tpu.dma_semaphore, #tpu.memory_space<semaphore_mem>>
      %dma_start3A = arith.constant 0 : i32
      %dma_start3A_23 = tpu.memref_slice %arg4[%mul3A_4, %dma_start3A] : memref<2560x128xi32, #tpu.memory_space<hbm>> -> memref<80x128xi32, #tpu.memory_space<hbm>>
      %dma_start3A_24 = arith.constant 0 : i32
      %dma_start3A_25 = tpu.memref_slice %arg4[%mul3A_4, %dma_start3A_24] : memref<2560x128xi32, #tpu.memory_space<hbm>> -> memref<80x128xi32, #tpu.memory_space<hbm>>
      tpu.enqueue_dma source(%dma_start3A_25 : memref<80x128xi32, #tpu.memory_space<hbm>>) target(%arg8 : memref<80x128xi32, #tpu.memory_space<vmem>>) target_semaphore(%run_scoped3A : memref<!tpu.dma_semaphore, #tpu.memory_space<semaphore_mem>>)
      %dma_wait3A = arith.constant 0 : i32
      %dma_wait3A_26 = tpu.memref_slice %arg4[%mul3A_4, %dma_wait3A] : memref<2560x128xi32, #tpu.memory_space<hbm>> -> memref<80x128xi32, #tpu.memory_space<hbm>>
      %dma_wait3A_27 = arith.constant 0 : i32
      %dma_wait3A_28 = tpu.memref_slice %arg4[%mul3A_4, %dma_wait3A_27] : memref<2560x128xi32, #tpu.memory_space<hbm>> -> memref<80x128xi32, #tpu.memory_space<hbm>>
      tpu.wait_dma2 semaphore(%run_scoped3A : memref<!tpu.dma_semaphore, #tpu.memory_space<semaphore_mem>>) src(%dma_wait3A_28 : memref<80x128xi32, #tpu.memory_space<hbm>>) dst(%arg8 : memref<80x128xi32, #tpu.memory_space<vmem>>)
      tpu.yield
    }) : () -> ()
    "tpu.region"() ({
      %run_scoped3A = tpu.sem_alloc : memref<!tpu.dma_semaphore, #tpu.memory_space<semaphore_mem>>
      tpu.enqueue_dma source(%arg5 : memref<128x128xf32, #tpu.memory_space<hbm>>) target(%arg9 : memref<128x128xf32, #tpu.memory_space<vmem>>) target_semaphore(%run_scoped3A : memref<!tpu.dma_semaphore, #tpu.memory_space<semaphore_mem>>)
      tpu.wait_dma2 semaphore(%run_scoped3A : memref<!tpu.dma_semaphore, #tpu.memory_space<semaphore_mem>>) src(%arg5 : memref<128x128xf32, #tpu.memory_space<hbm>>) dst(%arg9 : memref<128x128xf32, #tpu.memory_space<vmem>>)
      tpu.yield
    }) : () -> ()
    %scan3A = arith.constant 0 : i32
    %scan3A_5 = arith.constant 0 : i32
    %scan3A_6 = arith.constant 5 : i32
    %scan3A_7 = arith.addi %scan3A_5, %scan3A_6 : i32
    %scan3A_8 = arith.constant 1 : i32
    scf.for %scan3A_23 = %scan3A_5 to %scan3A_7 step %scan3A_8  : i32 {
      %mul3A_24 = arith.constant 640 : i32
      %mul3A_25 = arith.muli %arg1, %mul3A_24 : i32
      %mul3A_26 = arith.constant 128 : i32
      %mul3A_27 = arith.muli %scan3A_23, %mul3A_26 : i32
      %add3A_28 = arith.addi %mul3A_25, %mul3A_27 : i32
      "tpu.region"() ({
        %run_scoped3A = tpu.sem_alloc : memref<!tpu.dma_semaphore, #tpu.memory_space<semaphore_mem>>
        %dma_start3A = arith.constant 0 : i32
        %dma_start3A_29 = tpu.memref_slice %arg10[%add3A_28, %dma_start3A] : memref<10240x128xf32, #tpu.memory_space<vmem_shared>> -> memref<128x128xf32, #tpu.memory_space<vmem_shared>>
        %dma_start3A_30 = arith.constant 0 : i32
        %dma_start3A_31 = tpu.memref_slice %arg10[%add3A_28, %dma_start3A_30] : memref<10240x128xf32, #tpu.memory_space<vmem_shared>> -> memref<128x128xf32, #tpu.memory_space<vmem_shared>>
        tpu.enqueue_dma source(%arg9 : memref<128x128xf32, #tpu.memory_space<vmem>>) target(%dma_start3A_31 : memref<128x128xf32, #tpu.memory_space<vmem_shared>>) target_semaphore(%run_scoped3A : memref<!tpu.dma_semaphore, #tpu.memory_space<semaphore_mem>>)
        %dma_wait3A = arith.constant 0 : i32
        %dma_wait3A_32 = tpu.memref_slice %arg10[%add3A_28, %dma_wait3A] : memref<10240x128xf32, #tpu.memory_space<vmem_shared>> -> memref<128x128xf32, #tpu.memory_space<vmem_shared>>
        %dma_wait3A_33 = arith.constant 0 : i32
        %dma_wait3A_34 = tpu.memref_slice %arg10[%add3A_28, %dma_wait3A_33] : memref<10240x128xf32, #tpu.memory_space<vmem_shared>> -> memref<128x128xf32, #tpu.memory_space<vmem_shared>>
        tpu.wait_dma2 semaphore(%run_scoped3A : memref<!tpu.dma_semaphore, #tpu.memory_space<semaphore_mem>>) src(%arg9 : memref<128x128xf32, #tpu.memory_space<vmem>>) dst(%dma_wait3A_34 : memref<128x128xf32, #tpu.memory_space<vmem_shared>>)
        tpu.yield
      }) : () -> ()
    }
    %scan3A_9 = arith.constant 5 : i32
    %barrier3A = arith.constant 0 : index
    tpu.barrier barrier_id(%barrier3A)
    %scan3A_10 = arith.constant 0 : i32
    %scan3A_11 = arith.constant 0 : i32
    %scan3A_12 = arith.constant 80 : i32
    %scan3A_13 = arith.addi %scan3A_11, %scan3A_12 : i32
    %scan3A_14 = arith.constant 1 : i32
    scf.for %scan3A_23 = %scan3A_11 to %scan3A_13 step %scan3A_14  : i32 {
      %dma_start3A = arith.constant 0 : i32
      %dma_start3A_24 = tpu.memref_slice %arg7[%scan3A_23, %dma_start3A] : memref<80x128xi32, #tpu.memory_space<vmem>> -> memref<1x128xi32, #tpu.memory_space<vmem>>
      %dma_start3A_25 = tpu.memref_squeeze %dma_start3A_24 : memref<1x128xi32, #tpu.memory_space<vmem>> -> memref<128xi32, #tpu.memory_space<vmem>>
      %dma_start3A_26 = arith.constant 0 : i32
      %dma_start3A_27 = arith.constant 0 : i32
      %dma_start3A_28 = tpu.memref_slice %arg2[%dma_start3A_26, %dma_start3A_27] : memref<10240x128xf32, #tpu.memory_space<hbm>> -> memref<10240x128xf32, #tpu.memory_space<hbm>>
      tpu.enqueue_indirect_dma source(%dma_start3A_28 : memref<10240x128xf32, #tpu.memory_space<hbm>>) target(%arg9 : memref<128x128xf32, #tpu.memory_space<vmem>>) offsets(%dma_start3A_25 : memref<128xi32, #tpu.memory_space<vmem>>) semaphore(%arg11 : memref<!tpu.dma_semaphore, #tpu.memory_space<semaphore_mem>>)
      %dma_wait3A = arith.constant 0 : i32
      %dma_wait3A_29 = tpu.memref_slice %arg7[%scan3A_23, %dma_wait3A] : memref<80x128xi32, #tpu.memory_space<vmem>> -> memref<1x128xi32, #tpu.memory_space<vmem>>
      %dma_wait3A_30 = tpu.memref_squeeze %dma_wait3A_29 : memref<1x128xi32, #tpu.memory_space<vmem>> -> memref<128xi32, #tpu.memory_space<vmem>>
      %dma_wait3A_31 = arith.constant 0 : i32
      %dma_wait3A_32 = arith.constant 0 : i32
      %dma_wait3A_33 = tpu.memref_slice %arg2[%dma_wait3A_31, %dma_wait3A_32] : memref<10240x128xf32, #tpu.memory_space<hbm>> -> memref<10240x128xf32, #tpu.memory_space<hbm>>
      tpu.wait_indirect_dma semaphore(%arg11 : memref<!tpu.dma_semaphore, #tpu.memory_space<semaphore_mem>>) src(%dma_wait3A_33 : memref<10240x128xf32, #tpu.memory_space<hbm>>) dst(%arg9 : memref<128x128xf32, #tpu.memory_space<vmem>>)
      "tpu.region"() ({
        %run_scoped3A = tpu.sem_alloc : memref<!tpu.dma_semaphore, #tpu.memory_space<semaphore_mem>>
        %dma_start3A_34 = arith.constant 0 : i32
        %dma_start3A_35 = tpu.memref_slice %arg8[%scan3A_23, %dma_start3A_34] : memref<80x128xi32, #tpu.memory_space<vmem>> -> memref<1x128xi32, #tpu.memory_space<vmem>>
        %dma_start3A_36 = tpu.memref_squeeze %dma_start3A_35 : memref<1x128xi32, #tpu.memory_space<vmem>> -> memref<128xi32, #tpu.memory_space<vmem>>
        %dma_start3A_37 = arith.constant 0 : i32
        %dma_start3A_38 = arith.constant 0 : i32
        %dma_start3A_39 = tpu.memref_slice %arg10[%dma_start3A_37, %dma_start3A_38] : memref<10240x128xf32, #tpu.memory_space<vmem_shared>> -> memref<10240x128xf32, #tpu.memory_space<vmem_shared>>
        tpu.enqueue_indirect_dma source(%arg9 : memref<128x128xf32, #tpu.memory_space<vmem>>) target(%dma_start3A_39 : memref<10240x128xf32, #tpu.memory_space<vmem_shared>>) offsets(%dma_start3A_36 : memref<128xi32, #tpu.memory_space<vmem>>) semaphore(%run_scoped3A : memref<!tpu.dma_semaphore, #tpu.memory_space<semaphore_mem>>) {add = true}
        %dma_wait3A_40 = arith.constant 0 : i32
        %dma_wait3A_41 = tpu.memref_slice %arg8[%scan3A_23, %dma_wait3A_40] : memref<80x128xi32, #tpu.memory_space<vmem>> -> memref<1x128xi32, #tpu.memory_space<vmem>>
        %dma_wait3A_42 = tpu.memref_squeeze %dma_wait3A_41 : memref<1x128xi32, #tpu.memory_space<vmem>> -> memref<128xi32, #tpu.memory_space<vmem>>
        %dma_wait3A_43 = arith.constant 0 : i32
        %dma_wait3A_44 = arith.constant 0 : i32
        %dma_wait3A_45 = tpu.memref_slice %arg10[%dma_wait3A_43, %dma_wait3A_44] : memref<10240x128xf32, #tpu.memory_space<vmem_shared>> -> memref<10240x128xf32, #tpu.memory_space<vmem_shared>>
        tpu.wait_indirect_dma semaphore(%run_scoped3A : memref<!tpu.dma_semaphore, #tpu.memory_space<semaphore_mem>>) src(%arg9 : memref<128x128xf32, #tpu.memory_space<vmem>>) dst(%dma_wait3A_45 : memref<10240x128xf32, #tpu.memory_space<vmem_shared>>)
        tpu.yield
      }) : () -> ()
    }
    %scan3A_15 = arith.constant 80 : i32
    %barrier3A_16 = arith.constant 0 : index
    tpu.barrier barrier_id(%barrier3A_16)
    %scan3A_17 = arith.constant 0 : i32
    %scan3A_18 = arith.constant 0 : i32
    %scan3A_19 = arith.constant 5 : i32
    %scan3A_20 = arith.addi %scan3A_18, %scan3A_19 : i32
    %scan3A_21 = arith.constant 1 : i32
    scf.for %scan3A_23 = %scan3A_18 to %scan3A_20 step %scan3A_21  : i32 {
      %mul3A_24 = arith.constant 640 : i32
      %mul3A_25 = arith.muli %arg1, %mul3A_24 : i32
      %mul3A_26 = arith.constant 128 : i32
      %mul3A_27 = arith.muli %scan3A_23, %mul3A_26 : i32
      %add3A_28 = arith.addi %mul3A_25, %mul3A_27 : i32
      "tpu.region"() ({
        %run_scoped3A = tpu.sem_alloc : memref<!tpu.dma_semaphore, #tpu.memory_space<semaphore_mem>>
        %dma_start3A = arith.constant 0 : i32
        %dma_start3A_29 = tpu.memref_slice %arg10[%add3A_28, %dma_start3A] : memref<10240x128xf32, #tpu.memory_space<vmem_shared>> -> memref<128x128xf32, #tpu.memory_space<vmem_shared>>
        %dma_start3A_30 = arith.constant 0 : i32
        %dma_start3A_31 = tpu.memref_slice %arg10[%add3A_28, %dma_start3A_30] : memref<10240x128xf32, #tpu.memory_space<vmem_shared>> -> memref<128x128xf32, #tpu.memory_space<vmem_shared>>
        tpu.enqueue_dma source(%dma_start3A_31 : memref<128x128xf32, #tpu.memory_space<vmem_shared>>) target(%arg9 : memref<128x128xf32, #tpu.memory_space<vmem>>) target_semaphore(%run_scoped3A : memref<!tpu.dma_semaphore, #tpu.memory_space<semaphore_mem>>)
        %dma_wait3A = arith.constant 0 : i32
        %dma_wait3A_32 = tpu.memref_slice %arg10[%add3A_28, %dma_wait3A] : memref<10240x128xf32, #tpu.memory_space<vmem_shared>> -> memref<128x128xf32, #tpu.memory_space<vmem_shared>>
        %dma_wait3A_33 = arith.constant 0 : i32
        %dma_wait3A_34 = tpu.memref_slice %arg10[%add3A_28, %dma_wait3A_33] : memref<10240x128xf32, #tpu.memory_space<vmem_shared>> -> memref<128x128xf32, #tpu.memory_space<vmem_shared>>
        tpu.wait_dma2 semaphore(%run_scoped3A : memref<!tpu.dma_semaphore, #tpu.memory_space<semaphore_mem>>) src(%dma_wait3A_34 : memref<128x128xf32, #tpu.memory_space<vmem_shared>>) dst(%arg9 : memref<128x128xf32, #tpu.memory_space<vmem>>)
        tpu.yield
      }) : () -> ()
      "tpu.region"() ({
        %run_scoped3A = tpu.sem_alloc : memref<!tpu.dma_semaphore, #tpu.memory_space<semaphore_mem>>
        %dma_start3A = arith.constant 0 : i32
        %dma_start3A_29 = tpu.memref_slice %arg6[%arg0, %add3A_28, %dma_start3A] : memref<2x10240x128xf32, #tpu.memory_space<hbm>> -> memref<1x128x128xf32, #tpu.memory_space<hbm>>
        %dma_start3A_30 = tpu.memref_squeeze %dma_start3A_29 : memref<1x128x128xf32, #tpu.memory_space<hbm>> -> memref<128x128xf32, #tpu.memory_space<hbm>>
        %dma_start3A_31 = arith.constant 0 : i32
        %dma_start3A_32 = tpu.memref_slice %arg6[%arg0, %add3A_28, %dma_start3A_31] : memref<2x10240x128xf32, #tpu.memory_space<hbm>> -> memref<1x128x128xf32, #tpu.memory_space<hbm>>
        %dma_start3A_33 = tpu.memref_squeeze %dma_start3A_32 : memref<1x128x128xf32, #tpu.memory_space<hbm>> -> memref<128x128xf32, #tpu.memory_space<hbm>>
        tpu.enqueue_dma source(%arg9 : memref<128x128xf32, #tpu.memory_space<vmem>>) target(%dma_start3A_33 : memref<128x128xf32, #tpu.memory_space<hbm>>) target_semaphore(%run_scoped3A : memref<!tpu.dma_semaphore, #tpu.memory_space<semaphore_mem>>)
        %dma_wait3A = arith.constant 0 : i32
        %dma_wait3A_34 = tpu.memref_slice %arg6[%arg0, %add3A_28, %dma_wait3A] : memref<2x10240x128xf32, #tpu.memory_space<hbm>> -> memref<1x128x128xf32, #tpu.memory_space<hbm>>
        %dma_wait3A_35 = tpu.memref_squeeze %dma_wait3A_34 : memref<1x128x128xf32, #tpu.memory_space<hbm>> -> memref<128x128xf32, #tpu.memory_space<hbm>>
        %dma_wait3A_36 = arith.constant 0 : i32
        %dma_wait3A_37 = tpu.memref_slice %arg6[%arg0, %add3A_28, %dma_wait3A_36] : memref<2x10240x128xf32, #tpu.memory_space<hbm>> -> memref<1x128x128xf32, #tpu.memory_space<hbm>>
        %dma_wait3A_38 = tpu.memref_squeeze %dma_wait3A_37 : memref<1x128x128xf32, #tpu.memory_space<hbm>> -> memref<128x128xf32, #tpu.memory_space<hbm>>
        tpu.wait_dma2 semaphore(%run_scoped3A : memref<!tpu.dma_semaphore, #tpu.memory_space<semaphore_mem>>) src(%arg9 : memref<128x128xf32, #tpu.memory_space<vmem>>) dst(%dma_wait3A_38 : memref<128x128xf32, #tpu.memory_space<hbm>>)
        tpu.yield
      }) : () -> ()
    }
    %scan3A_22 = arith.constant 5 : i32
    return
  }
}

#map = affine_map<(d0, d1) -> (0, 0)>
#map1 = affine_map<(d0, d1) -> (0, 0, 0)>
module attributes {stable_mosaic.version = 14 : i64} {
  func.func @_sc_body(%arg0: i32, %arg1: i32, %arg2: memref<10240x128xf32, #tpu.memory_space<hbm>>, %arg3: memref<2560x128xi32, #tpu.memory_space<hbm>>, %arg4: memref<2560x128xi32, #tpu.memory_space<hbm>>, %arg5: memref<128x128xf32, #tpu.memory_space<hbm>>, %arg6: memref<2x10240x128xf32, #tpu.memory_space<hbm>>, %arg7: memref<80x128xi32, #tpu.memory_space<vmem>>, %arg8: memref<80x128xi32, #tpu.memory_space<vmem>>, %arg9: memref<128x128xf32, #tpu.memory_space<vmem>>, %arg10: memref<10240x128xf32, #tpu.memory_space<vmem_shared>>, %arg11: memref<!tpu.dma_semaphore, #tpu.memory_space<semaphore_mem>>) attributes {dimension_semantics = [#tpu.dimension_semantics<core_parallel>, #tpu.dimension_semantics<subcore_parallel>], iteration_bounds = array<i64: 2, 16>, scalar_prefetch = 0 : i64, scratch_operands = 5 : i64, tpu.core_type = #tpu.core_type<sc_vector_subcore>, window_params = [{transform_indices = #map}, {transform_indices = #map}, {transform_indices = #map}, {transform_indices = #map}, {transform_indices = #map1}]} {
    %mul3A = arith.constant 2 : i32
    %mul3A_0 = arith.muli %arg1, %mul3A : i32
    %add3A = arith.addi %mul3A_0, %arg0 : i32
    %mul3A_1 = arith.constant 80 : i32
    %mul3A_2 = arith.muli %add3A, %mul3A_1 : i32
    "tpu.region"() ({
      %run_scoped3A = tpu.sem_alloc : memref<!tpu.dma_semaphore, #tpu.memory_space<semaphore_mem>>
      %dma_start3A = arith.constant 0 : i32
      %dma_start3A_23 = tpu.memref_slice %arg3[%mul3A_2, %dma_start3A] : memref<2560x128xi32, #tpu.memory_space<hbm>> -> memref<80x128xi32, #tpu.memory_space<hbm>>
      %dma_start3A_24 = arith.constant 0 : i32
      %dma_start3A_25 = tpu.memref_slice %arg3[%mul3A_2, %dma_start3A_24] : memref<2560x128xi32, #tpu.memory_space<hbm>> -> memref<80x128xi32, #tpu.memory_space<hbm>>
      tpu.enqueue_dma source(%dma_start3A_25 : memref<80x128xi32, #tpu.memory_space<hbm>>) target(%arg7 : memref<80x128xi32, #tpu.memory_space<vmem>>) target_semaphore(%run_scoped3A : memref<!tpu.dma_semaphore, #tpu.memory_space<semaphore_mem>>)
      %dma_wait3A = arith.constant 0 : i32
      %dma_wait3A_26 = tpu.memref_slice %arg3[%mul3A_2, %dma_wait3A] : memref<2560x128xi32, #tpu.memory_space<hbm>> -> memref<80x128xi32, #tpu.memory_space<hbm>>
      %dma_wait3A_27 = arith.constant 0 : i32
      %dma_wait3A_28 = tpu.memref_slice %arg3[%mul3A_2, %dma_wait3A_27] : memref<2560x128xi32, #tpu.memory_space<hbm>> -> memref<80x128xi32, #tpu.memory_space<hbm>>
      tpu.wait_dma2 semaphore(%run_scoped3A : memref<!tpu.dma_semaphore, #tpu.memory_space<semaphore_mem>>) src(%dma_wait3A_28 : memref<80x128xi32, #tpu.memory_space<hbm>>) dst(%arg7 : memref<80x128xi32, #tpu.memory_space<vmem>>)
      tpu.yield
    }) : () -> ()
    %mul3A_3 = arith.constant 80 : i32
    %mul3A_4 = arith.muli %add3A, %mul3A_3 : i32
    "tpu.region"() ({
      %run_scoped3A = tpu.sem_alloc : memref<!tpu.dma_semaphore, #tpu.memory_space<semaphore_mem>>
      %dma_start3A = arith.constant 0 : i32
      %dma_start3A_23 = tpu.memref_slice %arg4[%mul3A_4, %dma_start3A] : memref<2560x128xi32, #tpu.memory_space<hbm>> -> memref<80x128xi32, #tpu.memory_space<hbm>>
      %dma_start3A_24 = arith.constant 0 : i32
      %dma_start3A_25 = tpu.memref_slice %arg4[%mul3A_4, %dma_start3A_24] : memref<2560x128xi32, #tpu.memory_space<hbm>> -> memref<80x128xi32, #tpu.memory_space<hbm>>
      tpu.enqueue_dma source(%dma_start3A_25 : memref<80x128xi32, #tpu.memory_space<hbm>>) target(%arg8 : memref<80x128xi32, #tpu.memory_space<vmem>>) target_semaphore(%run_scoped3A : memref<!tpu.dma_semaphore, #tpu.memory_space<semaphore_mem>>)
      %dma_wait3A = arith.constant 0 : i32
      %dma_wait3A_26 = tpu.memref_slice %arg4[%mul3A_4, %dma_wait3A] : memref<2560x128xi32, #tpu.memory_space<hbm>> -> memref<80x128xi32, #tpu.memory_space<hbm>>
      %dma_wait3A_27 = arith.constant 0 : i32
      %dma_wait3A_28 = tpu.memref_slice %arg4[%mul3A_4, %dma_wait3A_27] : memref<2560x128xi32, #tpu.memory_space<hbm>> -> memref<80x128xi32, #tpu.memory_space<hbm>>
      tpu.wait_dma2 semaphore(%run_scoped3A : memref<!tpu.dma_semaphore, #tpu.memory_space<semaphore_mem>>) src(%dma_wait3A_28 : memref<80x128xi32, #tpu.memory_space<hbm>>) dst(%arg8 : memref<80x128xi32, #tpu.memory_space<vmem>>)
      tpu.yield
    }) : () -> ()
    "tpu.region"() ({
      %run_scoped3A = tpu.sem_alloc : memref<!tpu.dma_semaphore, #tpu.memory_space<semaphore_mem>>
      tpu.enqueue_dma source(%arg5 : memref<128x128xf32, #tpu.memory_space<hbm>>) target(%arg9 : memref<128x128xf32, #tpu.memory_space<vmem>>) target_semaphore(%run_scoped3A : memref<!tpu.dma_semaphore, #tpu.memory_space<semaphore_mem>>)
      tpu.wait_dma2 semaphore(%run_scoped3A : memref<!tpu.dma_semaphore, #tpu.memory_space<semaphore_mem>>) src(%arg5 : memref<128x128xf32, #tpu.memory_space<hbm>>) dst(%arg9 : memref<128x128xf32, #tpu.memory_space<vmem>>)
      tpu.yield
    }) : () -> ()
    %scan3A = arith.constant 0 : i32
    %scan3A_5 = arith.constant 0 : i32
    %scan3A_6 = arith.constant 5 : i32
    %scan3A_7 = arith.addi %scan3A_5, %scan3A_6 : i32
    %scan3A_8 = arith.constant 1 : i32
    scf.for %scan3A_23 = %scan3A_5 to %scan3A_7 step %scan3A_8  : i32 {
      %mul3A_24 = arith.constant 640 : i32
      %mul3A_25 = arith.muli %arg1, %mul3A_24 : i32
      %mul3A_26 = arith.constant 128 : i32
      %mul3A_27 = arith.muli %scan3A_23, %mul3A_26 : i32
      %add3A_28 = arith.addi %mul3A_25, %mul3A_27 : i32
      "tpu.region"() ({
        %run_scoped3A = tpu.sem_alloc : memref<!tpu.dma_semaphore, #tpu.memory_space<semaphore_mem>>
        %dma_start3A = arith.constant 0 : i32
        %dma_start3A_29 = tpu.memref_slice %arg10[%add3A_28, %dma_start3A] : memref<10240x128xf32, #tpu.memory_space<vmem_shared>> -> memref<128x128xf32, #tpu.memory_space<vmem_shared>>
        %dma_start3A_30 = arith.constant 0 : i32
        %dma_start3A_31 = tpu.memref_slice %arg10[%add3A_28, %dma_start3A_30] : memref<10240x128xf32, #tpu.memory_space<vmem_shared>> -> memref<128x128xf32, #tpu.memory_space<vmem_shared>>
        tpu.enqueue_dma source(%arg9 : memref<128x128xf32, #tpu.memory_space<vmem>>) target(%dma_start3A_31 : memref<128x128xf32, #tpu.memory_space<vmem_shared>>) target_semaphore(%run_scoped3A : memref<!tpu.dma_semaphore, #tpu.memory_space<semaphore_mem>>)
        %dma_wait3A = arith.constant 0 : i32
        %dma_wait3A_32 = tpu.memref_slice %arg10[%add3A_28, %dma_wait3A] : memref<10240x128xf32, #tpu.memory_space<vmem_shared>> -> memref<128x128xf32, #tpu.memory_space<vmem_shared>>
        %dma_wait3A_33 = arith.constant 0 : i32
        %dma_wait3A_34 = tpu.memref_slice %arg10[%add3A_28, %dma_wait3A_33] : memref<10240x128xf32, #tpu.memory_space<vmem_shared>> -> memref<128x128xf32, #tpu.memory_space<vmem_shared>>
        tpu.wait_dma2 semaphore(%run_scoped3A : memref<!tpu.dma_semaphore, #tpu.memory_space<semaphore_mem>>) src(%arg9 : memref<128x128xf32, #tpu.memory_space<vmem>>) dst(%dma_wait3A_34 : memref<128x128xf32, #tpu.memory_space<vmem_shared>>)
        tpu.yield
      }) : () -> ()
    }
    %scan3A_9 = arith.constant 5 : i32
    %barrier3A = arith.constant 0 : index
    tpu.barrier barrier_id(%barrier3A)
    %scan3A_10 = arith.constant 0 : i32
    %scan3A_11 = arith.constant 0 : i32
    %scan3A_12 = arith.constant 80 : i32
    %scan3A_13 = arith.addi %scan3A_11, %scan3A_12 : i32
    %scan3A_14 = arith.constant 1 : i32
    scf.for %scan3A_23 = %scan3A_11 to %scan3A_13 step %scan3A_14  : i32 {
      %dma_start3A = arith.constant 0 : i32
      %dma_start3A_24 = tpu.memref_slice %arg7[%scan3A_23, %dma_start3A] : memref<80x128xi32, #tpu.memory_space<vmem>> -> memref<1x128xi32, #tpu.memory_space<vmem>>
      %dma_start3A_25 = tpu.memref_squeeze %dma_start3A_24 : memref<1x128xi32, #tpu.memory_space<vmem>> -> memref<128xi32, #tpu.memory_space<vmem>>
      %dma_start3A_26 = arith.constant 0 : i32
      %dma_start3A_27 = arith.constant 0 : i32
      %dma_start3A_28 = tpu.memref_slice %arg2[%dma_start3A_26, %dma_start3A_27] : memref<10240x128xf32, #tpu.memory_space<hbm>> -> memref<10240x128xf32, #tpu.memory_space<hbm>>
      tpu.enqueue_indirect_dma source(%dma_start3A_28 : memref<10240x128xf32, #tpu.memory_space<hbm>>) target(%arg9 : memref<128x128xf32, #tpu.memory_space<vmem>>) offsets(%dma_start3A_25 : memref<128xi32, #tpu.memory_space<vmem>>) semaphore(%arg11 : memref<!tpu.dma_semaphore, #tpu.memory_space<semaphore_mem>>)
      %dma_wait3A = arith.constant 0 : i32
      %dma_wait3A_29 = tpu.memref_slice %arg7[%scan3A_23, %dma_wait3A] : memref<80x128xi32, #tpu.memory_space<vmem>> -> memref<1x128xi32, #tpu.memory_space<vmem>>
      %dma_wait3A_30 = tpu.memref_squeeze %dma_wait3A_29 : memref<1x128xi32, #tpu.memory_space<vmem>> -> memref<128xi32, #tpu.memory_space<vmem>>
      %dma_wait3A_31 = arith.constant 0 : i32
      %dma_wait3A_32 = arith.constant 0 : i32
      %dma_wait3A_33 = tpu.memref_slice %arg2[%dma_wait3A_31, %dma_wait3A_32] : memref<10240x128xf32, #tpu.memory_space<hbm>> -> memref<10240x128xf32, #tpu.memory_space<hbm>>
      tpu.wait_indirect_dma semaphore(%arg11 : memref<!tpu.dma_semaphore, #tpu.memory_space<semaphore_mem>>) src(%dma_wait3A_33 : memref<10240x128xf32, #tpu.memory_space<hbm>>) dst(%arg9 : memref<128x128xf32, #tpu.memory_space<vmem>>)
      "tpu.region"() ({
        %run_scoped3A = tpu.sem_alloc : memref<!tpu.dma_semaphore, #tpu.memory_space<semaphore_mem>>
        %dma_start3A_34 = arith.constant 0 : i32
        %dma_start3A_35 = tpu.memref_slice %arg8[%scan3A_23, %dma_start3A_34] : memref<80x128xi32, #tpu.memory_space<vmem>> -> memref<1x128xi32, #tpu.memory_space<vmem>>
        %dma_start3A_36 = tpu.memref_squeeze %dma_start3A_35 : memref<1x128xi32, #tpu.memory_space<vmem>> -> memref<128xi32, #tpu.memory_space<vmem>>
        %dma_start3A_37 = arith.constant 0 : i32
        %dma_start3A_38 = arith.constant 0 : i32
        %dma_start3A_39 = tpu.memref_slice %arg10[%dma_start3A_37, %dma_start3A_38] : memref<10240x128xf32, #tpu.memory_space<vmem_shared>> -> memref<10240x128xf32, #tpu.memory_space<vmem_shared>>
        tpu.enqueue_indirect_dma source(%arg9 : memref<128x128xf32, #tpu.memory_space<vmem>>) target(%dma_start3A_39 : memref<10240x128xf32, #tpu.memory_space<vmem_shared>>) offsets(%dma_start3A_36 : memref<128xi32, #tpu.memory_space<vmem>>) semaphore(%run_scoped3A : memref<!tpu.dma_semaphore, #tpu.memory_space<semaphore_mem>>) {add = true}
        %dma_wait3A_40 = arith.constant 0 : i32
        %dma_wait3A_41 = tpu.memref_slice %arg8[%scan3A_23, %dma_wait3A_40] : memref<80x128xi32, #tpu.memory_space<vmem>> -> memref<1x128xi32, #tpu.memory_space<vmem>>
        %dma_wait3A_42 = tpu.memref_squeeze %dma_wait3A_41 : memref<1x128xi32, #tpu.memory_space<vmem>> -> memref<128xi32, #tpu.memory_space<vmem>>
        %dma_wait3A_43 = arith.constant 0 : i32
        %dma_wait3A_44 = arith.constant 0 : i32
        %dma_wait3A_45 = tpu.memref_slice %arg10[%dma_wait3A_43, %dma_wait3A_44] : memref<10240x128xf32, #tpu.memory_space<vmem_shared>> -> memref<10240x128xf32, #tpu.memory_space<vmem_shared>>
        tpu.wait_indirect_dma semaphore(%run_scoped3A : memref<!tpu.dma_semaphore, #tpu.memory_space<semaphore_mem>>) src(%arg9 : memref<128x128xf32, #tpu.memory_space<vmem>>) dst(%dma_wait3A_45 : memref<10240x128xf32, #tpu.memory_space<vmem_shared>>)
        tpu.yield
      }) : () -> ()
    }
    %scan3A_15 = arith.constant 80 : i32
    %barrier3A_16 = arith.constant 0 : index
    tpu.barrier barrier_id(%barrier3A_16)
    %scan3A_17 = arith.constant 0 : i32
    %scan3A_18 = arith.constant 0 : i32
    %scan3A_19 = arith.constant 5 : i32
    %scan3A_20 = arith.addi %scan3A_18, %scan3A_19 : i32
    %scan3A_21 = arith.constant 1 : i32
    scf.for %scan3A_23 = %scan3A_18 to %scan3A_20 step %scan3A_21  : i32 {
      %mul3A_24 = arith.constant 640 : i32
      %mul3A_25 = arith.muli %arg1, %mul3A_24 : i32
      %mul3A_26 = arith.constant 128 : i32
      %mul3A_27 = arith.muli %scan3A_23, %mul3A_26 : i32
      %add3A_28 = arith.addi %mul3A_25, %mul3A_27 : i32
      "tpu.region"() ({
        %run_scoped3A = tpu.sem_alloc : memref<!tpu.dma_semaphore, #tpu.memory_space<semaphore_mem>>
        %dma_start3A = arith.constant 0 : i32
        %dma_start3A_29 = tpu.memref_slice %arg10[%add3A_28, %dma_start3A] : memref<10240x128xf32, #tpu.memory_space<vmem_shared>> -> memref<128x128xf32, #tpu.memory_space<vmem_shared>>
        %dma_start3A_30 = arith.constant 0 : i32
        %dma_start3A_31 = tpu.memref_slice %arg10[%add3A_28, %dma_start3A_30] : memref<10240x128xf32, #tpu.memory_space<vmem_shared>> -> memref<128x128xf32, #tpu.memory_space<vmem_shared>>
        tpu.enqueue_dma source(%dma_start3A_31 : memref<128x128xf32, #tpu.memory_space<vmem_shared>>) target(%arg9 : memref<128x128xf32, #tpu.memory_space<vmem>>) target_semaphore(%run_scoped3A : memref<!tpu.dma_semaphore, #tpu.memory_space<semaphore_mem>>)
        %dma_wait3A = arith.constant 0 : i32
        %dma_wait3A_32 = tpu.memref_slice %arg10[%add3A_28, %dma_wait3A] : memref<10240x128xf32, #tpu.memory_space<vmem_shared>> -> memref<128x128xf32, #tpu.memory_space<vmem_shared>>
        %dma_wait3A_33 = arith.constant 0 : i32
        %dma_wait3A_34 = tpu.memref_slice %arg10[%add3A_28, %dma_wait3A_33] : memref<10240x128xf32, #tpu.memory_space<vmem_shared>> -> memref<128x128xf32, #tpu.memory_space<vmem_shared>>
        tpu.wait_dma2 semaphore(%run_scoped3A : memref<!tpu.dma_semaphore, #tpu.memory_space<semaphore_mem>>) src(%dma_wait3A_34 : memref<128x128xf32, #tpu.memory_space<vmem_shared>>) dst(%arg9 : memref<128x128xf32, #tpu.memory_space<vmem>>)
        tpu.yield
      }) : () -> ()
      "tpu.region"() ({
        %run_scoped3A = tpu.sem_alloc : memref<!tpu.dma_semaphore, #tpu.memory_space<semaphore_mem>>
        %dma_start3A = arith.constant 0 : i32
        %dma_start3A_29 = tpu.memref_slice %arg6[%arg0, %add3A_28, %dma_start3A] : memref<2x10240x128xf32, #tpu.memory_space<hbm>> -> memref<1x128x128xf32, #tpu.memory_space<hbm>>
        %dma_start3A_30 = tpu.memref_squeeze %dma_start3A_29 : memref<1x128x128xf32, #tpu.memory_space<hbm>> -> memref<128x128xf32, #tpu.memory_space<hbm>>
        %dma_start3A_31 = arith.constant 0 : i32
        %dma_start3A_32 = tpu.memref_slice %arg6[%arg0, %add3A_28, %dma_start3A_31] : memref<2x10240x128xf32, #tpu.memory_space<hbm>> -> memref<1x128x128xf32, #tpu.memory_space<hbm>>
        %dma_start3A_33 = tpu.memref_squeeze %dma_start3A_32 : memref<1x128x128xf32, #tpu.memory_space<hbm>> -> memref<128x128xf32, #tpu.memory_space<hbm>>
        tpu.enqueue_dma source(%arg9 : memref<128x128xf32, #tpu.memory_space<vmem>>) target(%dma_start3A_33 : memref<128x128xf32, #tpu.memory_space<hbm>>) target_semaphore(%run_scoped3A : memref<!tpu.dma_semaphore, #tpu.memory_space<semaphore_mem>>)
        %dma_wait3A = arith.constant 0 : i32
        %dma_wait3A_34 = tpu.memref_slice %arg6[%arg0, %add3A_28, %dma_wait3A] : memref<2x10240x128xf32, #tpu.memory_space<hbm>> -> memref<1x128x128xf32, #tpu.memory_space<hbm>>
        %dma_wait3A_35 = tpu.memref_squeeze %dma_wait3A_34 : memref<1x128x128xf32, #tpu.memory_space<hbm>> -> memref<128x128xf32, #tpu.memory_space<hbm>>
        %dma_wait3A_36 = arith.constant 0 : i32
        %dma_wait3A_37 = tpu.memref_slice %arg6[%arg0, %add3A_28, %dma_wait3A_36] : memref<2x10240x128xf32, #tpu.memory_space<hbm>> -> memref<1x128x128xf32, #tpu.memory_space<hbm>>
        %dma_wait3A_38 = tpu.memref_squeeze %dma_wait3A_37 : memref<1x128x128xf32, #tpu.memory_space<hbm>> -> memref<128x128xf32, #tpu.memory_space<hbm>>
        tpu.wait_dma2 semaphore(%run_scoped3A : memref<!tpu.dma_semaphore, #tpu.memory_space<semaphore_mem>>) src(%arg9 : memref<128x128xf32, #tpu.memory_space<vmem>>) dst(%dma_wait3A_38 : memref<128x128xf32, #tpu.memory_space<hbm>>)
        tpu.yield
      }) : () -> ()
    }
    %scan3A_22 = arith.constant 5 : i32
    return
  }
}

module attributes {stable_mosaic.version = 14 : i64} {
  func.func @_enc_body(%arg0: memref<10240x1xf32, #tpu.memory_space<vmem>>, %arg1: memref<1x128xf32, #tpu.memory_space<vmem>>, %arg2: memref<128xf32, #tpu.memory_space<vmem>>, %arg3: memref<10240x128xf32, #tpu.memory_space<vmem>>) attributes {dimension_semantics = [], scalar_prefetch = 0 : i64, scratch_operands = 0 : i64, tpu.core_type = #tpu.core_type<tc>} {
    %get3A = arith.constant 0 : index
    %get3A_0 = arith.constant 0 : index
    %get3A_1 = vector.load %arg0[%get3A, %get3A_0] : memref<10240x1xf32, #tpu.memory_space<vmem>>, vector<10240x1xf32>
    %get3A_2 = arith.constant 0 : index
    %get3A_3 = arith.constant 0 : index
    %get3A_4 = vector.load %arg1[%get3A_2, %get3A_3] : memref<1x128xf32, #tpu.memory_space<vmem>>, vector<1x128xf32>
    %get3A_5 = vector.shape_cast %get3A_4 : vector<1x128xf32> to vector<128xf32>
    %broadcast_in_dim3A = vector.shape_cast %get3A_5 : vector<128xf32> to vector<1x128xf32>
    %mul3A = vector.broadcast %get3A_1 : vector<10240x1xf32> to vector<10240x128xf32>
    %mul3A_6 = vector.broadcast %broadcast_in_dim3A : vector<1x128xf32> to vector<10240x128xf32>
    %mul3A_7 = arith.mulf %mul3A, %mul3A_6 : vector<10240x128xf32>
    %get3A_8 = arith.constant 0 : index
    %get3A_9 = vector.load %arg2[%get3A_8] : memref<128xf32, #tpu.memory_space<vmem>>, vector<128xf32>
    %broadcast_in_dim3A_10 = vector.shape_cast %get3A_9 : vector<128xf32> to vector<1x128xf32>
    %add3A = vector.broadcast %broadcast_in_dim3A_10 : vector<1x128xf32> to vector<10240x128xf32>
    %add3A_11 = arith.addf %mul3A_7, %add3A : vector<10240x128xf32>
    %swap3A = arith.constant 0 : index
    %swap3A_12 = arith.constant 0 : index
    %swap3A_13 = vector.load %arg3[%swap3A, %swap3A_12] : memref<10240x128xf32, #tpu.memory_space<vmem>>, vector<10240x128xf32>
    tpu.vector_store %arg3[%swap3A, %swap3A_12], %add3A_11 {strides = array<i32>} : memref<10240x128xf32, #tpu.memory_space<vmem>>, vector<10240x128xf32>,
    return
  }
}

module attributes {stable_mosaic.version = 14 : i64} {
  func.func @_lin1_body(%arg0: memref<10240x128xf32, #tpu.memory_space<vmem>>, %arg1: memref<2x10240x128xf32, #tpu.memory_space<vmem>>, %arg2: memref<128x128xf32, #tpu.memory_space<vmem>>, %arg3: memref<128xf32, #tpu.memory_space<vmem>>, %arg4: memref<10240x128xf32, #tpu.memory_space<vmem>>) attributes {dimension_semantics = [], scalar_prefetch = 0 : i64, scratch_operands = 0 : i64, tpu.core_type = #tpu.core_type<tc>} {
    %get3A = arith.constant 0 : index
    %get3A_0 = arith.constant 0 : index
    %get3A_1 = vector.load %arg0[%get3A, %get3A_0] : memref<10240x128xf32, #tpu.memory_space<vmem>>, vector<10240x128xf32>
    %get3A_2 = arith.constant 0 : index
    %get3A_3 = arith.constant 0 : index
    %get3A_4 = arith.constant 0 : index
    %get3A_5 = vector.load %arg1[%get3A_2, %get3A_3, %get3A_4] : memref<2x10240x128xf32, #tpu.memory_space<vmem>>, vector<1x10240x128xf32>
    %get3A_6 = vector.shape_cast %get3A_5 : vector<1x10240x128xf32> to vector<10240x128xf32>
    %add3A = arith.addf %get3A_1, %get3A_6 : vector<10240x128xf32>
    %get3A_7 = arith.constant 1 : index
    %get3A_8 = arith.constant 0 : index
    %get3A_9 = arith.constant 0 : index
    %get3A_10 = vector.load %arg1[%get3A_7, %get3A_8, %get3A_9] : memref<2x10240x128xf32, #tpu.memory_space<vmem>>, vector<1x10240x128xf32>
    %get3A_11 = vector.shape_cast %get3A_10 : vector<1x10240x128xf32> to vector<10240x128xf32>
    %add3A_12 = arith.addf %add3A, %get3A_11 : vector<10240x128xf32>
    %get3A_13 = arith.constant 0 : index
    %get3A_14 = arith.constant 0 : index
    %get3A_15 = vector.load %arg2[%get3A_13, %get3A_14] : memref<128x128xf32, #tpu.memory_space<vmem>>, vector<128x128xf32>
    %dot_general3A = arith.constant dense<0.000000e+00> : vector<10240x128xf32>
    %dot_general3A_16 = tpu.matmul %add3A_12, %get3A_15, %dot_general3A {dimension_numbers = #tpu.dot_dimension_numbers<[1], [0], [0], [1], [0, 0, 1, 1], [], []>, transpose_lhs_hint = false} : vector<10240x128xf32>, vector<128x128xf32>, vector<10240x128xf32> -> vector<10240x128xf32>
    %get3A_17 = arith.constant 0 : index
    %get3A_18 = vector.load %arg3[%get3A_17] : memref<128xf32, #tpu.memory_space<vmem>>, vector<128xf32>
    %broadcast_in_dim3A = vector.shape_cast %get3A_18 : vector<128xf32> to vector<1x128xf32>
    %add3A_19 = vector.broadcast %broadcast_in_dim3A : vector<1x128xf32> to vector<10240x128xf32>
    %add3A_20 = arith.addf %dot_general3A_16, %add3A_19 : vector<10240x128xf32>
    %max3A = arith.constant 0.000000e+00 : f32
    %max3A_21 = vector.broadcast %max3A : f32 to vector<10240x128xf32>
    %max3A_22 = arith.maximumf %add3A_20, %max3A_21 : vector<10240x128xf32>
    %swap3A = arith.constant 0 : index
    %swap3A_23 = arith.constant 0 : index
    %swap3A_24 = vector.load %arg4[%swap3A, %swap3A_23] : memref<10240x128xf32, #tpu.memory_space<vmem>>, vector<10240x128xf32>
    tpu.vector_store %arg4[%swap3A, %swap3A_23], %max3A_22 {strides = array<i32>} : memref<10240x128xf32, #tpu.memory_space<vmem>>, vector<10240x128xf32>,
    return
  }
}

module attributes {stable_mosaic.version = 14 : i64} {
  func.func @_lin_body(%arg0: memref<10240x128xf32, #tpu.memory_space<vmem>>, %arg1: memref<128xf32, #tpu.memory_space<vmem>>, %arg2: memref<128xf32, #tpu.memory_space<vmem>>, %arg3: memref<128xf32, #tpu.memory_space<vmem>>, %arg4: memref<128xf32, #tpu.memory_space<vmem>>, %arg5: memref<128x128xf32, #tpu.memory_space<vmem>>, %arg6: memref<128xf32, #tpu.memory_space<vmem>>, %arg7: memref<10240x128xf32, #tpu.memory_space<vmem>>) attributes {dimension_semantics = [], scalar_prefetch = 0 : i64, scratch_operands = 0 : i64, tpu.core_type = #tpu.core_type<tc>} {
    %get3A = arith.constant 0 : index
    %get3A_0 = arith.constant 0 : index
    %get3A_1 = vector.load %arg0[%get3A, %get3A_0] : memref<10240x128xf32, #tpu.memory_space<vmem>>, vector<10240x128xf32>
    %get3A_2 = arith.constant 0 : index
    %get3A_3 = vector.load %arg1[%get3A_2] : memref<128xf32, #tpu.memory_space<vmem>>, vector<128xf32>
    %broadcast_in_dim3A = vector.shape_cast %get3A_3 : vector<128xf32> to vector<1x128xf32>
    %sub3A = vector.broadcast %broadcast_in_dim3A : vector<1x128xf32> to vector<10240x128xf32>
    %sub3A_4 = arith.subf %get3A_1, %sub3A : vector<10240x128xf32>
    %get3A_5 = arith.constant 0 : index
    %get3A_6 = vector.load %arg2[%get3A_5] : memref<128xf32, #tpu.memory_space<vmem>>, vector<128xf32>
    %broadcast_in_dim3A_7 = vector.shape_cast %get3A_6 : vector<128xf32> to vector<1x128xf32>
    %div3A = vector.broadcast %broadcast_in_dim3A_7 : vector<1x128xf32> to vector<10240x128xf32>
    %div3A_8 = arith.divf %sub3A_4, %div3A : vector<10240x128xf32>
    %get3A_9 = arith.constant 0 : index
    %get3A_10 = vector.load %arg3[%get3A_9] : memref<128xf32, #tpu.memory_space<vmem>>, vector<128xf32>
    %broadcast_in_dim3A_11 = vector.shape_cast %get3A_10 : vector<128xf32> to vector<1x128xf32>
    %mul3A = vector.broadcast %broadcast_in_dim3A_11 : vector<1x128xf32> to vector<10240x128xf32>
    %mul3A_12 = arith.mulf %div3A_8, %mul3A : vector<10240x128xf32>
    %get3A_13 = arith.constant 0 : index
    %get3A_14 = vector.load %arg4[%get3A_13] : memref<128xf32, #tpu.memory_space<vmem>>, vector<128xf32>
    %broadcast_in_dim3A_15 = vector.shape_cast %get3A_14 : vector<128xf32> to vector<1x128xf32>
    %add3A = vector.broadcast %broadcast_in_dim3A_15 : vector<1x128xf32> to vector<10240x128xf32>
    %add3A_16 = arith.addf %mul3A_12, %add3A : vector<10240x128xf32>
    %get3A_17 = arith.constant 0 : index
    %get3A_18 = arith.constant 0 : index
    %get3A_19 = vector.load %arg5[%get3A_17, %get3A_18] : memref<128x128xf32, #tpu.memory_space<vmem>>, vector<128x128xf32>
    %dot_general3A = arith.constant dense<0.000000e+00> : vector<10240x128xf32>
    %dot_general3A_20 = tpu.matmul %add3A_16, %get3A_19, %dot_general3A {dimension_numbers = #tpu.dot_dimension_numbers<[1], [0], [0], [1], [0, 0, 1, 1], [], []>, transpose_lhs_hint = false} : vector<10240x128xf32>, vector<128x128xf32>, vector<10240x128xf32> -> vector<10240x128xf32>
    %get3A_21 = arith.constant 0 : index
    %get3A_22 = vector.load %arg6[%get3A_21] : memref<128xf32, #tpu.memory_space<vmem>>, vector<128xf32>
    %broadcast_in_dim3A_23 = vector.shape_cast %get3A_22 : vector<128xf32> to vector<1x128xf32>
    %add3A_24 = vector.broadcast %broadcast_in_dim3A_23 : vector<1x128xf32> to vector<10240x128xf32>
    %add3A_25 = arith.addf %dot_general3A_20, %add3A_24 : vector<10240x128xf32>
    %max3A = arith.constant 0.000000e+00 : f32
    %max3A_26 = vector.broadcast %max3A : f32 to vector<10240x128xf32>
    %max3A_27 = arith.maximumf %add3A_25, %max3A_26 : vector<10240x128xf32>
    %swap3A = arith.constant 0 : index
    %swap3A_28 = arith.constant 0 : index
    %swap3A_29 = vector.load %arg7[%swap3A, %swap3A_28] : memref<10240x128xf32, #tpu.memory_space<vmem>>, vector<10240x128xf32>
    tpu.vector_store %arg7[%swap3A, %swap3A_28], %max3A_27 {strides = array<i32>} : memref<10240x128xf32, #tpu.memory_space<vmem>>, vector<10240x128xf32>,
    return
  }
}

module attributes {stable_mosaic.version = 14 : i64} {
  func.func @_fin_body(%arg0: memref<10240x128xf32, #tpu.memory_space<vmem>>, %arg1: memref<128xf32, #tpu.memory_space<vmem>>, %arg2: memref<128xf32, #tpu.memory_space<vmem>>, %arg3: memref<128xf32, #tpu.memory_space<vmem>>, %arg4: memref<128xf32, #tpu.memory_space<vmem>>, %arg5: memref<128x10xf32, #tpu.memory_space<vmem>>, %arg6: memref<10xf32, #tpu.memory_space<vmem>>, %arg7: memref<10240x128xf32, #tpu.memory_space<vmem>>, %arg8: memref<100x10xf32, #tpu.memory_space<vmem>>) attributes {dimension_semantics = [], scalar_prefetch = 0 : i64, scratch_operands = 0 : i64, tpu.core_type = #tpu.core_type<tc>} {
    %get3A = arith.constant 0 : index
    %get3A_0 = arith.constant 0 : index
    %get3A_1 = vector.load %arg0[%get3A, %get3A_0] : memref<10240x128xf32, #tpu.memory_space<vmem>>, vector<10240x128xf32>
    %get3A_2 = arith.constant 0 : index
    %get3A_3 = vector.load %arg1[%get3A_2] : memref<128xf32, #tpu.memory_space<vmem>>, vector<128xf32>
    %broadcast_in_dim3A = vector.shape_cast %get3A_3 : vector<128xf32> to vector<1x128xf32>
    %sub3A = vector.broadcast %broadcast_in_dim3A : vector<1x128xf32> to vector<10240x128xf32>
    %sub3A_4 = arith.subf %get3A_1, %sub3A : vector<10240x128xf32>
    %get3A_5 = arith.constant 0 : index
    %get3A_6 = vector.load %arg2[%get3A_5] : memref<128xf32, #tpu.memory_space<vmem>>, vector<128xf32>
    %broadcast_in_dim3A_7 = vector.shape_cast %get3A_6 : vector<128xf32> to vector<1x128xf32>
    %div3A = vector.broadcast %broadcast_in_dim3A_7 : vector<1x128xf32> to vector<10240x128xf32>
    %div3A_8 = arith.divf %sub3A_4, %div3A : vector<10240x128xf32>
    %get3A_9 = arith.constant 0 : index
    %get3A_10 = vector.load %arg3[%get3A_9] : memref<128xf32, #tpu.memory_space<vmem>>, vector<128xf32>
    %broadcast_in_dim3A_11 = vector.shape_cast %get3A_10 : vector<128xf32> to vector<1x128xf32>
    %mul3A = vector.broadcast %broadcast_in_dim3A_11 : vector<1x128xf32> to vector<10240x128xf32>
    %mul3A_12 = arith.mulf %div3A_8, %mul3A : vector<10240x128xf32>
    %get3A_13 = arith.constant 0 : index
    %get3A_14 = vector.load %arg4[%get3A_13] : memref<128xf32, #tpu.memory_space<vmem>>, vector<128xf32>
    %broadcast_in_dim3A_15 = vector.shape_cast %get3A_14 : vector<128xf32> to vector<1x128xf32>
    %add3A = vector.broadcast %broadcast_in_dim3A_15 : vector<1x128xf32> to vector<10240x128xf32>
    %add3A_16 = arith.addf %mul3A_12, %add3A : vector<10240x128xf32>
    %swap3A = arith.constant 0 : index
    %swap3A_17 = arith.constant 0 : index
    %swap3A_18 = vector.load %arg7[%swap3A, %swap3A_17] : memref<10240x128xf32, #tpu.memory_space<vmem>>, vector<10240x128xf32>
    tpu.vector_store %arg7[%swap3A, %swap3A_17], %add3A_16 {strides = array<i32>} : memref<10240x128xf32, #tpu.memory_space<vmem>>, vector<10240x128xf32>,
    %iota3A = tpu.iota {dimensions = array<i32: 1>} : vector<100x10240xi32>
    %jit3A = arith.constant 100 : i32
    %div3A_19 = vector.broadcast %jit3A : i32 to vector<100x10240xi32>
    %div3A_20 = arith.divsi %iota3A, %div3A_19 : vector<100x10240xi32>
    %sign3A = arith.constant 0 : i32
    %sign3A_21 = vector.broadcast %sign3A : i32 to vector<100x10240xi32>
    %sign3A_22 = arith.cmpi sgt, %iota3A, %sign3A_21 : vector<100x10240xi32>
    %sign3A_23 = arith.extui %sign3A_22 : vector<100x10240xi1> to vector<100x10240xi32>
    %sign3A_24 = arith.constant 0 : i32
    %sign3A_25 = vector.broadcast %sign3A_24 : i32 to vector<100x10240xi32>
    %sign3A_26 = arith.cmpi slt, %iota3A, %sign3A_25 : vector<100x10240xi32>
    %sign3A_27 = arith.extui %sign3A_26 : vector<100x10240xi1> to vector<100x10240xi32>
    %sign3A_28 = arith.subi %sign3A_23, %sign3A_27 : vector<100x10240xi32>
    %sign3A_29 = arith.constant 0 : i32
    %sign3A_30 = arith.cmpi sgt, %jit3A, %sign3A_29 : i32
    %sign3A_31 = arith.extui %sign3A_30 : i1 to i32
    %sign3A_32 = arith.constant 0 : i32
    %sign3A_33 = arith.cmpi slt, %jit3A, %sign3A_32 : i32
    %sign3A_34 = arith.extui %sign3A_33 : i1 to i32
    %sign3A_35 = arith.subi %sign3A_31, %sign3A_34 : i32
    %ne3A = vector.broadcast %sign3A_35 : i32 to vector<100x10240xi32>
    %ne3A_36 = arith.cmpi ne, %sign3A_28, %ne3A : vector<100x10240xi32>
    %rem3A = vector.broadcast %jit3A : i32 to vector<100x10240xi32>
    %rem3A_37 = arith.remsi %iota3A, %rem3A : vector<100x10240xi32>
    %ne3A_38 = arith.constant 0 : i32
    %ne3A_39 = vector.broadcast %ne3A_38 : i32 to vector<100x10240xi32>
    %ne3A_40 = arith.cmpi ne, %rem3A_37, %ne3A_39 : vector<100x10240xi32>
    %and3A = arith.andi %ne3A_36, %ne3A_40 : vector<100x10240xi1>
    %sub3A_41 = arith.constant 1 : i32
    %sub3A_42 = vector.broadcast %sub3A_41 : i32 to vector<100x10240xi32>
    %sub3A_43 = arith.subi %div3A_20, %sub3A_42 : vector<100x10240xi32>
    %select_n3A = arith.select %and3A, %sub3A_43, %div3A_20 : vector<100x10240xi1>, vector<100x10240xi32>
    %iota3A_44 = tpu.iota {dimensions = array<i32: 0>} : vector<100x10240xi32>
    %eq3A = arith.cmpi eq, %select_n3A, %iota3A_44 : vector<100x10240xi32>
    %convert_element_type3A = arith.extui %eq3A : vector<100x10240xi1> to vector<100x10240xi32>
    %convert_element_type3A_45 = arith.sitofp %convert_element_type3A : vector<100x10240xi32> to vector<100x10240xf32>
    %dot_general3A = arith.constant dense<0.000000e+00> : vector<100x128xf32>
    %dot_general3A_46 = tpu.matmul %convert_element_type3A_45, %add3A_16, %dot_general3A {dimension_numbers = #tpu.dot_dimension_numbers<[1], [0], [0], [1], [0, 0, 1, 1], [], []>, transpose_lhs_hint = false} : vector<100x10240xf32>, vector<10240x128xf32>, vector<100x128xf32> -> vector<100x128xf32>
    %get3A_47 = arith.constant 0 : index
    %get3A_48 = arith.constant 0 : index
    %get3A_49 = vector.load %arg5[%get3A_47, %get3A_48] : memref<128x10xf32, #tpu.memory_space<vmem>>, vector<128x10xf32>
    %dot_general3A_50 = arith.constant dense<0.000000e+00> : vector<100x10xf32>
    %dot_general3A_51 = tpu.matmul %dot_general3A_46, %get3A_49, %dot_general3A_50 {dimension_numbers = #tpu.dot_dimension_numbers<[1], [0], [0], [1], [0, 0, 1, 1], [], []>, transpose_lhs_hint = false} : vector<100x128xf32>, vector<128x10xf32>, vector<100x10xf32> -> vector<100x10xf32>
    %get3A_52 = arith.constant 0 : index
    %get3A_53 = vector.load %arg6[%get3A_52] : memref<10xf32, #tpu.memory_space<vmem>>, vector<10xf32>
    %broadcast_in_dim3A_54 = vector.shape_cast %get3A_53 : vector<10xf32> to vector<1x10xf32>
    %add3A_55 = vector.broadcast %broadcast_in_dim3A_54 : vector<1x10xf32> to vector<100x10xf32>
    %add3A_56 = arith.addf %dot_general3A_51, %add3A_55 : vector<100x10xf32>
    %swap3A_57 = arith.constant 0 : index
    %swap3A_58 = arith.constant 0 : index
    %swap3A_59 = vector.load %arg8[%swap3A_57, %swap3A_58] : memref<100x10xf32, #tpu.memory_space<vmem>>, vector<100x10xf32>
    tpu.vector_store %arg8[%swap3A_57, %swap3A_58], %add3A_56 {strides = array<i32>} : memref<100x10xf32, #tpu.memory_space<vmem>>, vector<100x10xf32>,
    return
  }
}

module attributes {stable_mosaic.version = 14 : i64} {
  func.func @_fin_body(%arg0: memref<10240x128xf32, #tpu.memory_space<vmem>>, %arg1: memref<128xf32, #tpu.memory_space<vmem>>, %arg2: memref<128xf32, #tpu.memory_space<vmem>>, %arg3: memref<128xf32, #tpu.memory_space<vmem>>, %arg4: memref<128xf32, #tpu.memory_space<vmem>>, %arg5: memref<128x10xf32, #tpu.memory_space<vmem>>, %arg6: memref<10xf32, #tpu.memory_space<vmem>>, %arg7: memref<10240x128xf32, #tpu.memory_space<vmem>>, %arg8: memref<100x10xf32, #tpu.memory_space<vmem>>) attributes {dimension_semantics = [], scalar_prefetch = 0 : i64, scratch_operands = 0 : i64, tpu.core_type = #tpu.core_type<tc>} {
    %get3A = arith.constant 0 : index
    %get3A_0 = arith.constant 0 : index
    %get3A_1 = vector.load %arg0[%get3A, %get3A_0] : memref<10240x128xf32, #tpu.memory_space<vmem>>, vector<10240x128xf32>
    %get3A_2 = arith.constant 0 : index
    %get3A_3 = vector.load %arg1[%get3A_2] : memref<128xf32, #tpu.memory_space<vmem>>, vector<128xf32>
    %broadcast_in_dim3A = vector.shape_cast %get3A_3 : vector<128xf32> to vector<1x128xf32>
    %sub3A = vector.broadcast %broadcast_in_dim3A : vector<1x128xf32> to vector<10240x128xf32>
    %sub3A_4 = arith.subf %get3A_1, %sub3A : vector<10240x128xf32>
    %get3A_5 = arith.constant 0 : index
    %get3A_6 = vector.load %arg2[%get3A_5] : memref<128xf32, #tpu.memory_space<vmem>>, vector<128xf32>
    %broadcast_in_dim3A_7 = vector.shape_cast %get3A_6 : vector<128xf32> to vector<1x128xf32>
    %div3A = vector.broadcast %broadcast_in_dim3A_7 : vector<1x128xf32> to vector<10240x128xf32>
    %div3A_8 = arith.divf %sub3A_4, %div3A : vector<10240x128xf32>
    %get3A_9 = arith.constant 0 : index
    %get3A_10 = vector.load %arg3[%get3A_9] : memref<128xf32, #tpu.memory_space<vmem>>, vector<128xf32>
    %broadcast_in_dim3A_11 = vector.shape_cast %get3A_10 : vector<128xf32> to vector<1x128xf32>
    %mul3A = vector.broadcast %broadcast_in_dim3A_11 : vector<1x128xf32> to vector<10240x128xf32>
    %mul3A_12 = arith.mulf %div3A_8, %mul3A : vector<10240x128xf32>
    %get3A_13 = arith.constant 0 : index
    %get3A_14 = vector.load %arg4[%get3A_13] : memref<128xf32, #tpu.memory_space<vmem>>, vector<128xf32>
    %broadcast_in_dim3A_15 = vector.shape_cast %get3A_14 : vector<128xf32> to vector<1x128xf32>
    %add3A = vector.broadcast %broadcast_in_dim3A_15 : vector<1x128xf32> to vector<10240x128xf32>
    %add3A_16 = arith.addf %mul3A_12, %add3A : vector<10240x128xf32>
    %swap3A = arith.constant 0 : index
    %swap3A_17 = arith.constant 0 : index
    %swap3A_18 = vector.load %arg7[%swap3A, %swap3A_17] : memref<10240x128xf32, #tpu.memory_space<vmem>>, vector<10240x128xf32>
    tpu.vector_store %arg7[%swap3A, %swap3A_17], %add3A_16 {strides = array<i32>} : memref<10240x128xf32, #tpu.memory_space<vmem>>, vector<10240x128xf32>,
    %iota3A = tpu.iota {dimensions = array<i32: 1>} : vector<100x10240xi32>
    %jit3A = arith.constant 100 : i32
    %div3A_19 = vector.broadcast %jit3A : i32 to vector<100x10240xi32>
    %div3A_20 = arith.divsi %iota3A, %div3A_19 : vector<100x10240xi32>
    %sign3A = arith.constant 0 : i32
    %sign3A_21 = vector.broadcast %sign3A : i32 to vector<100x10240xi32>
    %sign3A_22 = arith.cmpi sgt, %iota3A, %sign3A_21 : vector<100x10240xi32>
    %sign3A_23 = arith.extui %sign3A_22 : vector<100x10240xi1> to vector<100x10240xi32>
    %sign3A_24 = arith.constant 0 : i32
    %sign3A_25 = vector.broadcast %sign3A_24 : i32 to vector<100x10240xi32>
    %sign3A_26 = arith.cmpi slt, %iota3A, %sign3A_25 : vector<100x10240xi32>
    %sign3A_27 = arith.extui %sign3A_26 : vector<100x10240xi1> to vector<100x10240xi32>
    %sign3A_28 = arith.subi %sign3A_23, %sign3A_27 : vector<100x10240xi32>
    %sign3A_29 = arith.constant 0 : i32
    %sign3A_30 = arith.cmpi sgt, %jit3A, %sign3A_29 : i32
    %sign3A_31 = arith.extui %sign3A_30 : i1 to i32
    %sign3A_32 = arith.constant 0 : i32
    %sign3A_33 = arith.cmpi slt, %jit3A, %sign3A_32 : i32
    %sign3A_34 = arith.extui %sign3A_33 : i1 to i32
    %sign3A_35 = arith.subi %sign3A_31, %sign3A_34 : i32
    %ne3A = vector.broadcast %sign3A_35 : i32 to vector<100x10240xi32>
    %ne3A_36 = arith.cmpi ne, %sign3A_28, %ne3A : vector<100x10240xi32>
    %rem3A = vector.broadcast %jit3A : i32 to vector<100x10240xi32>
    %rem3A_37 = arith.remsi %iota3A, %rem3A : vector<100x10240xi32>
    %ne3A_38 = arith.constant 0 : i32
    %ne3A_39 = vector.broadcast %ne3A_38 : i32 to vector<100x10240xi32>
    %ne3A_40 = arith.cmpi ne, %rem3A_37, %ne3A_39 : vector<100x10240xi32>
    %and3A = arith.andi %ne3A_36, %ne3A_40 : vector<100x10240xi1>
    %sub3A_41 = arith.constant 1 : i32
    %sub3A_42 = vector.broadcast %sub3A_41 : i32 to vector<100x10240xi32>
    %sub3A_43 = arith.subi %div3A_20, %sub3A_42 : vector<100x10240xi32>
    %select_n3A = arith.select %and3A, %sub3A_43, %div3A_20 : vector<100x10240xi1>, vector<100x10240xi32>
    %iota3A_44 = tpu.iota {dimensions = array<i32: 0>} : vector<100x10240xi32>
    %eq3A = arith.cmpi eq, %select_n3A, %iota3A_44 : vector<100x10240xi32>
    %convert_element_type3A = arith.extui %eq3A : vector<100x10240xi1> to vector<100x10240xi32>
    %convert_element_type3A_45 = arith.sitofp %convert_element_type3A : vector<100x10240xi32> to vector<100x10240xf32>
    %dot_general3A = arith.constant dense<0.000000e+00> : vector<100x128xf32>
    %dot_general3A_46 = tpu.matmul %convert_element_type3A_45, %add3A_16, %dot_general3A {dimension_numbers = #tpu.dot_dimension_numbers<[1], [0], [0], [1], [0, 0, 1, 1], [], []>, transpose_lhs_hint = false} : vector<100x10240xf32>, vector<10240x128xf32>, vector<100x128xf32> -> vector<100x128xf32>
    %get3A_47 = arith.constant 0 : index
    %get3A_48 = arith.constant 0 : index
    %get3A_49 = vector.load %arg5[%get3A_47, %get3A_48] : memref<128x10xf32, #tpu.memory_space<vmem>>, vector<128x10xf32>
    %dot_general3A_50 = arith.constant dense<0.000000e+00> : vector<100x10xf32>
    %dot_general3A_51 = tpu.matmul %dot_general3A_46, %get3A_49, %dot_general3A_50 {dimension_numbers = #tpu.dot_dimension_numbers<[1], [0], [0], [1], [0, 0, 1, 1], [], []>, transpose_lhs_hint = false} : vector<100x128xf32>, vector<128x10xf32>, vector<100x10xf32> -> vector<100x10xf32>
    %get3A_52 = arith.constant 0 : index
    %get3A_53 = vector.load %arg6[%get3A_52] : memref<10xf32, #tpu.memory_space<vmem>>, vector<10xf32>
    %broadcast_in_dim3A_54 = vector.shape_cast %get3A_53 : vector<10xf32> to vector<1x10xf32>
    %add3A_55 = vector.broadcast %broadcast_in_dim3A_54 : vector<1x10xf32> to vector<100x10xf32>
    %add3A_56 = arith.addf %dot_general3A_51, %add3A_55 : vector<100x10xf32>
    %swap3A_57 = arith.constant 0 : index
    %swap3A_58 = arith.constant 0 : index
    %swap3A_59 = vector.load %arg8[%swap3A_57, %swap3A_58] : memref<100x10xf32, #tpu.memory_space<vmem>>, vector<100x10xf32>
    tpu.vector_store %arg8[%swap3A_57, %swap3A_58], %add3A_56 {strides = array<i32>} : memref<100x10xf32, #tpu.memory_space<vmem>>, vector<100x10xf32>,
    return
  }
}

</mosaic_0001>

<sc_bundles>
// kernel: gather_offload_async_start.1
scs
__scs_entry_jumppad:
0x0: {  	(pc) =	sbr.rel $0x88, $3  }
0x1: {  	(tag) =	ssettag $0x0;
	lr =	simm.s32 $0x1  }
0x2: {  	[smem:$0x3F97] =	sst lr;
	_ =	strace $0xD0000000  }
0x3: {  	_ = 	snop  }
0x4: {  	_ = 	snop  }
0x5: {  	_ = 	snop  }
0x6: {  	_ = 	snop  }
0x7: {  	_ = 	snop  }
__scs_overlays_trampoline_lowered:
0x8: {  	[smem:$0x3FA6] =	sst s0  }
0x9: {  	[smem:$0x3FA7] =	sst s1  }
0xa: {  	[smem:$0x3FA8] =	sst s2  }
0xb: {  	[smem:$0x3FA9] =	sst s3  }
0xc: {  	[smem:$0x3FAA] =	sst s4  }
0xd: {  	[smem:$0x3FAB] =	sst s5  }
0xe: {  	[smem:$0x3FAC] =	sst s6  }
0xf: {  	[smem:$0x3FAD] =	sst s7  }
0x10: {  	[smem:$0x3FAE] =	sst s8  }
0x11: {  	[smem:$0x3FAF] =	sst s9;
	s0 =	simm.s32 @!p0 $0x0  }
0x12: {  	s1 =	sld [smem:$0x3F95];
	s0 =	simm.s32 @p0 $0x1  }
0x13: {  	[smem:$0x3FB0] =	sst s0;
	s0 =	simm.s32 @!p1 $0x0  }
0x14: {  	s2 =	sld [smem:$0x3F94];
	s0 =	simm.s32 @p1 $0x1  }
0x15: {  	[smem:$0x3FB1] =	sst s0;
	s0 =	simm.s32 @!p2 $0x0  }
0x16: {  	s3 =	sld [smem:$0x3FDB];
	s0 =	simm.s32 @p2 $0x1  }
0x17: {  	s4 =	simm.s32 $0x1BF5;
	[smem:$0x3FB3] =	sst s0  }
0x18: {  	s0 =	sld [smem:$0x3F96];
	_ =	swait.ge [sflag:s4], $0x0  }
0x19: {  	s7 =	sld [smem:$0x3F97]  }
0x1a: {  	s8 =	sadd.s32 $0xFFFFE003, lr  }
0x1b: {  	s9 =	sadd.s32 $0xFFFFFEF7, lr;
	s5 =	simm.s32 $0xFFFFFFFF;
	p2 =	slt.u32 s8, $0xFFFFF086  }
0x1c: {  	p1 =	slt.u32 s9, $0xF7A;
	s5 =	simm.s32 @!p2 $0x0  }
0x1d: {  	s5 =	simm.s32 @p1 $0x1;
	p0 =	seq.s32 s7, s2  }
0x1e: {  	s7 =	smul.u32 @!p0 $0xF7A, s2;
	p2 =	seq.s32 @!p0 s5, $0x0  }
0x1f: {  	s9 =	smul.u32 $0xF7A, s1;
	s8 =	simm.s32 @!p0 $0x1BF5;
	p2 =	por !p2, p0  }
0x20: {  	[sflag:s8] =	ssyncset.s32 @!p0 $0xFFFFF086;
	s6 =	sadd.s32 @!p0 s3, s7;
	s7 =	simm.s32 @!p0 $0x108  }
0x21: {  	s3 =	sadd.s32 s3, s9;
	s6 =	sadd.s32 @!p0 $0x88, s6;
	s7 =	simm.s32 @p2 $0x1082  }
0x22: {  	[simem:s7], [sflag:s8] =	dma.local @!p0 [hbm:s6], $0xF7A  }
0x23: {  	s9 =	sor.u32 $0xD0000000, s2;
	s6 =	simm.s32 $0x108;
	_ =	swait.ge @!p0 [sflag:s8], $0x0  }
0x24: {  	s3 =	sadd.s32 $0x88, s3;
	s6 =	simm.s32 @!p1 $0x1082;
	[sflag:s4] =	ssyncset.s32 $0xFFFFF086  }
0x25: {  	[simem:s6], [sflag:s4] =	dma.local [hbm:s3], $0xF7A  }
0x26: {  	[smem:$0x3F97] =	sst s1;
	(tag) =	ssettag s2;
	_ =	strace s9  }
0x27: {  	s1 =	sld [smem:$0x3FA7]  }
0x28: {  	s2 =	sld [smem:$0x3FA8]  }
0x29: {  	s4 =	sld [smem:$0x3FAA]  }
0x2a: {  	p0 =	seq.s32 s5, $0x0;
	s5 =	sld [smem:$0x3FAB]  }
0x2b: {  	s6 =	sld [smem:$0x3FAC]  }
0x2c: {  	s7 =	sld [smem:$0x3FAD]  }
0x2d: {  	s3 =	simm.s32 $0x108;
	s8 =	sld [smem:$0x3FAE]  }
0x2e: {  	s3 =	simm.s32 @!p0 $0x1082;
	s9 =	sld [smem:$0x3FAF]  }
0x2f: {  	lr =	sadd.s32 s0, s3;
	s0 =	sld [smem:$0x3FA6]  }
0x30: {  	s3 =	sld [smem:$0x3FA9]  }
0x31: {  	[smem:$0x3FB2] =	sst s10  }
0x32: {  	s10 =	sld [smem:$0x3FB0];
	_ =	sdelay $0x3  }
0x33: {  	p0 =	seq.s32 s10, $0x1;
	s10 =	sld [smem:$0x3FB2];
	_ =	sdelay $0x3  }
0x34: {  	[smem:$0x3FB2] =	sst s10  }
0x35: {  	s10 =	sld [smem:$0x3FB1];
	_ =	sdelay $0x3  }
0x36: {  	p1 =	seq.s32 s10, $0x1;
	s10 =	sld [smem:$0x3FB2];
	_ =	sdelay $0x3  }
0x37: {  	[smem:$0x3FB2] =	sst s10  }
0x38: {  	s10 =	sld [smem:$0x3FB3]  }
0x39: {  	_ = 	snop;
	(pc) =	sbr.ind lr, $3  }
0x3a: {  	_ = 	snop  }
0x3b: {  	_ = 	snop  }
0x3c: {  	p2 =	seq.s32 s10, $0x1;
	s10 =	sld [smem:$0x3FB2]  }
0x3d: {  	_ =	shalt  }
0x3e: {  	_ =	shalt  }
0x3f: {  	_ =	shalt  }
0x40: {  	_ =	shalt  }
0x41: {  	_ =	shalt  }
0x42: {  	_ =	shalt  }
0x43: {  	_ =	shalt  }
0x44: {  	_ =	shalt  }
0x45: {  	_ =	shalt  }
0x46: {  	_ =	shalt  }
0x47: {  	_ =	shalt  }
0x48: {  	_ =	shalt  }
0x49: {  	_ =	shalt  }
0x4a: {  	_ =	shalt  }
0x4b: {  	_ =	shalt  }
0x4c: {  	_ =	shalt  }
0x4d: {  	_ =	shalt  }
0x4e: {  	_ =	shalt  }
0x4f: {  	_ =	shalt  }
0x50: {  	_ =	shalt  }
0x51: {  	_ =	shalt  }
0x52: {  	_ =	shalt  }
0x53: {  	_ =	shalt  }
0x54: {  	_ =	shalt  }
0x55: {  	_ =	shalt  }
0x56: {  	_ =	shalt  }
0x57: {  	_ =	shalt  }
0x58: {  	_ =	shalt  }
0x59: {  	_ =	shalt  }
0x5a: {  	_ =	shalt  }
0x5b: {  	_ =	shalt  }
0x5c: {  	_ =	shalt  }
0x5d: {  	_ =	shalt  }
0x5e: {  	_ =	shalt  }
0x5f: {  	_ =	shalt  }
0x60: {  	_ =	shalt  }
0x61: {  	_ =	shalt  }
0x62: {  	_ =	shalt  }
0x63: {  	_ =	shalt  }
0x64: {  	_ =	shalt  }
0x65: {  	_ =	shalt  }
0x66: {  	_ =	shalt  }
0x67: {  	_ =	shalt  }
0x68: {  	_ =	shalt  }
0x69: {  	_ =	shalt  }
0x6a: {  	_ =	shalt  }
0x6b: {  	_ =	shalt  }
0x6c: {  	_ =	shalt  }
0x6d: {  	_ =	shalt  }
0x6e: {  	_ =	shalt  }
0x6f: {  	_ =	shalt  }
0x70: {  	_ =	shalt  }
0x71: {  	_ =	shalt  }
0x72: {  	_ =	shalt  }
0x73: {  	_ =	shalt  }
0x74: {  	_ =	shalt  }
0x75: {  	_ =	shalt  }
0x76: {  	_ =	shalt  }
0x77: {  	_ =	shalt  }
0x78: {  	_ =	shalt  }
0x79: {  	_ =	shalt  }
0x7a: {  	_ =	shalt  }
0x7b: {  	_ =	shalt  }
0x7c: {  	_ =	shalt  }
0x7d: {  	_ =	shalt  }
0x7e: {  	_ =	shalt  }
0x7f: {  	_ =	shalt  }
0x80: {  	_ =	shalt  }
0x81: {  	_ =	shalt  }
0x82: {  	_ =	shalt  }
0x83: {  	_ =	shalt  }
0x84: {  	_ =	shalt  }
0x85: {  	_ =	shalt  }
0x86: {  	_ =	shalt  }
0x87: {  	_ =	shalt  }
.Lfunc_end0:
.L_simem_size_0:
called_computation.1_lowered:
.L_overlay_start_0:
0x88: {  	s2 =	sld [smem:$0x3FD9]  }
0x89: {  	s3 =	sld [smem:$0x3FFE];
	_ =	sdelay $0x1  }
0x8a: {  	s1 =	srdreg.scid  }
0x8b: {  	s0 =	sand.u32 $0x1, s1  }
0x8c: {  	s16 =	sshll.u32 s0, $0xA;
	s2 =	sadd.s32 s3, s2  }
0x8d: {  	s2 =	sadd.s32 s2, s16  }
0x8e: {  	[smem:$0x3FBE] =	sst s2  }
0x8f: {  	_ = 	snop  }
0x90: {  	(tm) =	ssettm $0x1  }
0x91: {  	s17 =	sld [smem:$0x3FFB];
	_ =	sdelay $0x3  }
0x92: {  	_ =	strace s17  }
0x93: {  	s2 =	sld [smem:$0x3FFC];
	_ =	sdelay $0x3  }
0x94: {  	_ =	strace s2  }
0x95: {  	s2 =	sld [smem:$0x3FFD];
	_ =	sdelay $0x3  }
0x96: {  	_ =	strace s2  }
0x97: {  	_ =	strace $0x8FFFFFFF  }
0x98: {  	s18 =	sld [smem:$0x3FDB];
	_ =	sdelay $0x1  }
0x99: {  	s19 =	simm.s32 $_scs_section_size  }
0x9a: {  	s4 =	simm.s32 $_size__tile_overlayer_lowered;
	s5 =	simm.s32 $_tile_overlayer_lowered  }
0x9b: {  	s22 =	simm.s32 $0x1BFF;
	s21 =	sshll.u32 s5, $0x1;
	s2 =	sadd.s32 s19, s18  }
0x9c: {  	s6 =	simm.s32 $0x0;
	s20 =	sshll.u32 s4, $0x1;
	s4 =	sadd.s32 s21, s2  }
0x9d: {  	[timem:s6], [sflag:s22] =	dma.local [hbm:s4], s20  }
0x9e: {  	_ =	swait.ge [sflag:s22], s20  }
0x9f: {  	s3 =	ssub.s32 $0x0, s20;
	[sflag:s22] =	ssyncset.done $0x0  }
0xa0: {  	[sflag:s22] =	ssyncadd.s32 s3;
	_ =	sdelay $0x1  }
0xa1: {  	s23 =	simm.s32 $0x1B8B  }
0xa2: {  	_ =	swait.ge [sflag:s23], $0x1  }
0xa3: {  	[sflag:s23] =	ssyncset.done $0x0  }
0xa4: {  	s25 =	simm.s32 $0x1B8E;
	s24 =	sld [smem:$0x3FFE];
	[sflag:s23] =	ssyncadd.s32 $0xFFFFFFFF  }
0xa5: {  	s26 =	simm.s32 $execute0_lowered;
	[smem:$0x3FD2] =	sst s25  }
0xa6: {  	s4 =	sshll.u32 s26, $0x1;
	_ =	strace $0x80000046;
	[dreg:$0x1] =	wrdreg $0xFFFFFFFF  }
0xa7: {  	s28 =	simm.s32 $_size_execute0_lowered;
	s2 =	sadd.s32 s2, s4;
	[dreg:$0x0] =	wrdreg $0x0  }
0xa8: {  	s4 =	sshll.u32 s28, $0x1;
	[dreg:$0x2] =	wrdreg s2  }
0xa9: {  	[dreg:$0x3] =	wrdreg s4  }
0xaa: {  	[dreg:$0x4] =	wrdreg $0xC0  }
0xab: {  	_ =	task [dreg:s6], $0x5FFFF  }
0xac: {  	[dreg:$0x1] =	wrdreg $0xFFFFFFFF  }
0xad: {  	[dreg:$0x0] =	wrdreg $0x60  }
0xae: {  	[dreg:$0x2] =	wrdreg s24  }
0xaf: {  	[dreg:$0x3] =	wrdreg $0xA  }
0xb0: {  	_ =	task.clear_ibuf [dreg:s6], $0x4FFFF;
	_ =	strace $0x90000046  }
0xb1: {  	s29 =	simm.s32 $0xA;
	_ =	strace $0x80000048  }
0xb2: {  	_ =	swait.ge [sflag:s29], $0x1  }
0xb3: {  	[sflag:s29] =	ssyncadd.s32 $0xFFFFFFFF  }
0xb4: {  	_ =	strace $0x90000048  }
0xb5: {  	_ =	sfence  }
0xb6: {  	s30 =	sld [smem:$0x0];
	_ =	sdelay $0x2  }
0xb7: {  	s31 =	sshll.u32 s1, $0xD;
	s1 =	sshrl.u32 s1, $0x2  }
0xb8: {  	s3 =	sand.u32 $0x4000, s31;
	s1 =	sadd.s32 s1, s30  }
0xb9: {  	s0 =	sor.u32 s3, s0;
	s1 =	sshll.u32 s1, $0x11  }
0xba: {  	s0 =	sor.u32 s1, s0  }
0xbb: {  	s0 =	sadd.s32 $0x8F2B, s0  }
0xbc: {  	[sflag:s0] =	ssyncadd.remote.s32 $0x1  }
0xbd: {  	_ =	sfence.sel $0xFFFF  }
0xbe: {  	[dreg:$0x0] =	wrdreg $0xFFFFFFFF;
	(pc) =	sbr.abs _section_cstart, $3  }
0xbf: {  	[dreg:$0x1] =	wrdreg $0xFFFFFFFF  }
0xc0: {  	_ =	task.clear_ibuf [dreg:s6], $0x2FFFF;
	_ =	strace $0x9FFFFFFF  }
0xc1: {  	(tm) =	ssettm $0x7FFFFFFF  }
tec
execute0_lowered:
.L_overlay_start_1:
0x0: {  	(tag) =	ssettag $0x1  }
0x1: {  	s8 =	rddreg [dreg:$0x0]  }
0x2: {  	s0 =	rddreg [dreg:$0x1];
	_ =	strace $0x80000047;
	s1 =	stileid.u32  }
0x3: {  	s3 =	srdreg.scid;
	s4 =	simm.s32 $0x1;
	s7 =	simm.s32 $0x1  }
0x4: {  	s9 =	simm.s32 $0x1;
	s10 =	simm.s32 $0x3;
	s13 =	simm.s32 $0x0  }
0x5: {  	s12 =	simm.s32 $0x0;
	s5 =	sand.u32 $0x1, s3;
	s6 =	sshll.u32 s1, $0x1  }
0x6: {  	s2 =	sadd.s32 $0xA200, s8;
	s3 =	sadd.s32 $0x14000, s8;
	s5 =	sor.u32 s6, s5  }
.Ltmp0:
0x7: {  	[sflag:s4] =	ssyncpa.u1 $0x0;
	p0 =	slt.u32 s5, $0x9;
	(pc) =	sbr.rel .LBB2_1-.Ltmp0, $4  }
0x8: {  	s6 =	simm.s32 $0x2;
	s7 =	simm.s32 @!p0 $0x0;
	p0 =	sne.s32 s5, $0x8  }
0x9: {  	[sflag:s6] =	ssyncpa.u1 $0x0;
	s5 =	smul.u32 $0x1F40, s5;
	s9 =	simm.s32 @!p0 $0x0  }
0xa: {  	s8 =	sadd.s32 $0x45E00, s8;
	[sflag:s10] =	ssyncpa.u1 $0x0;
	s7 =	sadd.s32 s9, s7  }
0xb: {  	vm0 =	vmmov $0xffff;
	s10 =	simm.s32 $0x0;
	s11 =	smov.u32 s5;
	s9 =	sadd.s32 $0x1, s7  }
.LBB2_4:
0xc: {  	v2 =	vnsel vm1, $0x0, v2  }
0xd: {  	vm1 =	vgt.s32 v0, $0x0;
	v2 =	vmin.u32 v2, $0x4E1FF  }
0xe: {  	v0 =	vnsel vm1, $0x0, v0  }
0xf: {  	v0 =	vmin.u32 v0, $0x4E1FF  }
0x10: {  	[tilespmem:s18], [sflag:$0x1] =	stream.indirect_vreg.gather [hbm4b:s2+s10], $0x1, v1, vm0, $0x4038;
	[tilespmem:$0x7D00] =	vst v63  }
0x11: {  	(ifvalue) =	ssetifvalue $0x7FFFFFFF  }
0x12: {  	[tilespmem:s15], [sflag:$0x1] =	stream.indirect_vreg.gather [hbm4b:s2+s10], $0x1, v2, vm0, $0x4038;
	[tilespmem:$0x7D00] =	vst v63  }
0x13: {  	s29 =	sadd.s32 $0x10, s15;
	(ifvalue) =	ssetifvalue $0x7FFFFFFF  }
0x14: {  	[tilespmem:s29], [sflag:$0x1] =	stream.indirect_vreg.gather [hbm4b:s2+s10], $0x1, v0, vm0, $0x4038;
	[tilespmem:$0x7D00] =	vst v63  }
0x15: {  	_ =	swait.ge [sflag:s4], $0x1F40  }
0x16: {  	s30 =	sshrl.u32 s13, $0x3;
	[sflag:s4] =	ssyncset.done $0x0  }
0x17: {  	s31 =	sand.u32 $0x7, s13;
	s15 =	sadd.s32 s8, s30;
	[sflag:s4] =	ssyncadd.s32 $0xFFFFE0C0  }
0x18: {  	[hbm4b:s15+s31] =	stream.linear.scatter [tilespmem:s14], [sflag:$0x3], $0x1F40, $0x38;
	[tilespmem:$0x7D00] =	vst v63  }
.LBB2_5:
0x19: {  	s15 =	sadd.s32 $0x3E800, s11  }
0x1a: {  	p1 =	sgt.s32 s15, $0x4E1FF  }
0x1b: {  	s15 =	smov.u32 @p1 s5;
	p1 =	sne.s32 s12, s9  }
.Ltmp1:
0x1c: {  	p0 =	slt.u32 s12, $0x2;
	(pc) =	sbr.rel @!p1 .LBB2_6-.Ltmp1, $4  }
0x1d: {  	s14 =	simm.s32 @!p0 $0x3  }
0x1e: {  	_ =	swait.ge @!p0 [sflag:s14], $0x1F40  }
0x1f: {  	s16 =	sadd.s32 $0x1, s12;
	s13 =	smov.u32 s11;
	[sflag:s14] =	ssyncset.done @!p0 $0x0  }
0x20: {  	s12 =	smov.u32 s16;
	s11 =	smov.u32 s15;
	[sflag:s14] =	ssyncadd.s32 @!p0 $0xFFFFE0C0  }
.LBB2_1:
0x21: {  	p0 =	sge.u32 s12, s7  }
0x22: {  	s14 =	sxor.u32 @!p0 $0x1, s12  }
0x23: {  	s14 =	smul.u32 @!p0 $0x7D00, s14  }
0x24: {  	s31 =	sadd.s32 $0xFFFFFFFF, s12;
	s15 =	sshrl.u32 @!p0 s11, $0x3  }
0x25: {  	s16 =	sand.u32 @!p0 $0x7, s11;
	s15 =	sadd.s32 @!p0 s3, s15;
	s14 =	sshra.s32 @!p0 s14, $0x2  }
0x26: {  	[tilespmem:s14], [sflag:$0x2] =	stream.linear.gather @!p0 [hbm4b:s15+s16], $0x1F40, $0x38;
	[tilespmem:$0x7D00] =	vst v63  }
0x27: {  	p0 =	sge.u32 s31, s7  }
.Ltmp2:
0x28: {  	_ = 	snop;
	(pc) =	sbr.rel @p0 .LBB2_5-.Ltmp2, $1  }
0x29: {  	_ =	sdelay $0x3  }
0x2a: {  	s14 =	sand.u32 $0x1, s12  }
0x2b: {  	_ =	swait.ge [sflag:s6], $0x1F40;
	p0 =	seq.s32 s14, $0x1;
	s14 =	simm.s32 $0x1F40  }
0x2c: {  	[sflag:s6] =	ssyncset.done $0x0;
	s14 =	simm.s32 @!p0 $0x0  }
0x2d: {  	[sflag:s6] =	ssyncadd.s32 $0xFFFFE0C0;
	(ifvalue) =	ssetifvalue $0x7FFFFFFF;
	v0 =	vld.msk [tilespmem:s14+$0x0 ss:$0x1], $0xffff;
	_ =	sdelay $0x4  }
0x2e: {  	s15 =	sadd.s32 $0x10, s14;
	vm1 =	vgt.s32 v0, $0x0  }
0x2f: {  	v2 =	vld.msk [tilespmem:s15+$0x0 ss:$0x1], $0xffff;
	v1 =	vnsel vm1, $0x0, v0  }
0x30: {  	v1 =	vmin.u32 v1, $0x4E1FF;
	_ =	sdelay $0x2  }
0x31: {  	s17 =	simm.s32 $0x20;
	s14 =	sadd.s32 $0x3E80, s14;
	s16 =	sadd.s32 $0x10, s15  }
0x32: {  	s15 =	sadd.s32 $0x10, s14;
	s18 =	smov.u32 s14;
	v0 =	vld.msk [tilespmem:s16+$0x0 ss:$0x1], $0xffff;
	vm1 =	vgt.s32 v2, $0x0;
	(ifvalue) =	ssetifvalue $0x7FFFFFFF  }
.LBB2_3:
0x33: {  	[tilespmem:s18], [sflag:$0x1] =	stream.indirect_vreg.gather [hbm4b:s2+s10], $0x1, v1, vm0, $0x4038;
	[tilespmem:$0x7D00] =	vst v63  }
0x34: {  	s17 =	sadd.s32 $0x10, s17  }
0x35: {  	v2 =	vnsel vm1, $0x0, v2;
	p0 =	slt.u32 s17, $0x1F30  }
.Ltmp3:
0x36: {  	s18 =	smov.u32 s15;
	v1 =	vmin.u32 v2, $0x4E1FF;
	(pc) =	sbr.rel @p0 .LBB2_3-.Ltmp3, $3  }
0x37: {  	_ =	sdelay $0x1  }
0x38: {  	s16 =	sadd.s32 $0x10, s16  }
0x39: {  	vm1 =	vgt.s32 v0, $0x0;
	s15 =	sadd.s32 $0x10, s15;
	v2 =	vmov v0;
	(ifvalue) =	ssetifvalue $0x7FFFFFFF;
	v0 =	vld.msk [tilespmem:s16+$0x0 ss:$0x1], $0xffff  }
.Ltmp4:
0x3a: {  	_ = 	snop;
	(pc) =	sbr.rel .LBB2_4-.Ltmp4, $1  }
0x3b: {  	_ =	sdelay $0x3  }
.LBB2_6:
0x3c: {  	_ =	sfence.sel $0x180000  }
0x3d: {  	s2 =	simm.s32 $0x2;
	[bflag:$0x0] =	sbarrier.arrive $0xFFFF  }
0x3e: {  	s30 =	simm.s32 $0x3;
	[sflag:s2] =	ssyncpa.u1 $0x1  }
0x3f: {  	s31 =	simm.s32 $0x1;
	[sflag:s30] =	ssyncpa.u1 $0x1  }
0x40: {  	[sflag:s31] =	ssyncpa.u1 $0x1  }
0x41: {  	p0 =	sne.s32 s1, $0x0;
	_ =	strace $0x90000047  }
0x42: {  	s0 =	sadd.s32 @!p0 $0x100000, s0;
	[bflag:$0x2] =	sbarrier.arrive $0xFFFF  }
0x43: {  	[sflag:s0] =	ssyncadd.tile.s32 @!p0 $0x1;
	_ =	shalt  }
.Lfunc_end2:
_tile_overlayer_lowered:
.L_overlay_start_2:
0x44: {  	(tag) =	ssettag $0x2  }
0x45: {  	s0 =	rddreg [dreg:$0x0];
	s2 =	stileid.u32  }
0x46: {  	s1 =	rddreg [dreg:$0x1];
	p0 =	sne.s32 s2, $0x0  }
0x47: {  	s3 =	rddreg [dreg:$0x2];
	[bflag:$0x3] =	sbarrier.arrive $0xFFFF;
	s2 =	simm.s32 @!p0 $0x1C01  }
0x48: {  	[timem:s3], [sflag:s2] =	dma.local @!p0 [hbm:s0], s1  }
0x49: {  	s0 =	simm.s32 @!p0 $0x1  }
0x4a: {  	_ =	swait.ge @!p0 [sflag:s0], s1  }
0x4b: {  	s1 =	ssub.s32 @!p0 $0x0, s1;
	[sflag:s0] =	ssyncset.done @!p0 $0x0  }
0x4c: {  	[sflag:s0] =	ssyncadd.s32 @!p0 s1  }
0x4d: {  	[bflag:$0x3] =	sbarrier.arrive $0xFFFF  }
0x4e: {  	_ =	shalt  }

// kernel: gather_offload_async_start
scs
__scs_entry_jumppad:
0x0: {  	(pc) =	sbr.rel $0x88, $3  }
0x1: {  	(tag) =	ssettag $0x0;
	lr =	simm.s32 $0x1  }
0x2: {  	[smem:$0x3F97] =	sst lr;
	_ =	strace $0xD0000000  }
0x3: {  	_ = 	snop  }
0x4: {  	_ = 	snop  }
0x5: {  	_ = 	snop  }
0x6: {  	_ = 	snop  }
0x7: {  	_ = 	snop  }
__scs_overlays_trampoline_lowered:
0x8: {  	[smem:$0x3FA6] =	sst s0  }
0x9: {  	[smem:$0x3FA7] =	sst s1  }
0xa: {  	[smem:$0x3FA8] =	sst s2  }
0xb: {  	[smem:$0x3FA9] =	sst s3  }
0xc: {  	[smem:$0x3FAA] =	sst s4  }
0xd: {  	[smem:$0x3FAB] =	sst s5  }
0xe: {  	[smem:$0x3FAC] =	sst s6  }
0xf: {  	[smem:$0x3FAD] =	sst s7  }
0x10: {  	[smem:$0x3FAE] =	sst s8  }
0x11: {  	[smem:$0x3FAF] =	sst s9;
	s0 =	simm.s32 @!p0 $0x0  }
0x12: {  	s1 =	sld [smem:$0x3F95];
	s0 =	simm.s32 @p0 $0x1  }
0x13: {  	[smem:$0x3FB0] =	sst s0;
	s0 =	simm.s32 @!p1 $0x0  }
0x14: {  	s2 =	sld [smem:$0x3F94];
	s0 =	simm.s32 @p1 $0x1  }
0x15: {  	[smem:$0x3FB1] =	sst s0;
	s0 =	simm.s32 @!p2 $0x0  }
0x16: {  	s3 =	sld [smem:$0x3FDB];
	s0 =	simm.s32 @p2 $0x1  }
0x17: {  	s4 =	simm.s32 $0x1BF5;
	[smem:$0x3FB3] =	sst s0  }
0x18: {  	s0 =	sld [smem:$0x3F96];
	_ =	swait.ge [sflag:s4], $0x0  }
0x19: {  	s7 =	sld [smem:$0x3F97]  }
0x1a: {  	s8 =	sadd.s32 $0xFFFFE003, lr  }
0x1b: {  	s9 =	sadd.s32 $0xFFFFFEF7, lr;
	s5 =	simm.s32 $0xFFFFFFFF;
	p2 =	slt.u32 s8, $0xFFFFF086  }
0x1c: {  	p1 =	slt.u32 s9, $0xF7A;
	s5 =	simm.s32 @!p2 $0x0  }
0x1d: {  	s5 =	simm.s32 @p1 $0x1;
	p0 =	seq.s32 s7, s2  }
0x1e: {  	s7 =	smul.u32 @!p0 $0xF7A, s2;
	p2 =	seq.s32 @!p0 s5, $0x0  }
0x1f: {  	s9 =	smul.u32 $0xF7A, s1;
	s8 =	simm.s32 @!p0 $0x1BF5;
	p2 =	por !p2, p0  }
0x20: {  	[sflag:s8] =	ssyncset.s32 @!p0 $0xFFFFF086;
	s6 =	sadd.s32 @!p0 s3, s7;
	s7 =	simm.s32 @!p0 $0x108  }
0x21: {  	s3 =	sadd.s32 s3, s9;
	s6 =	sadd.s32 @!p0 $0x88, s6;
	s7 =	simm.s32 @p2 $0x1082  }
0x22: {  	[simem:s7], [sflag:s8] =	dma.local @!p0 [hbm:s6], $0xF7A  }
0x23: {  	s9 =	sor.u32 $0xD0000000, s2;
	s6 =	simm.s32 $0x108;
	_ =	swait.ge @!p0 [sflag:s8], $0x0  }
0x24: {  	s3 =	sadd.s32 $0x88, s3;
	s6 =	simm.s32 @!p1 $0x1082;
	[sflag:s4] =	ssyncset.s32 $0xFFFFF086  }
0x25: {  	[simem:s6], [sflag:s4] =	dma.local [hbm:s3], $0xF7A  }
0x26: {  	[smem:$0x3F97] =	sst s1;
	(tag) =	ssettag s2;
	_ =	strace s9  }
0x27: {  	s1 =	sld [smem:$0x3FA7]  }
0x28: {  	s2 =	sld [smem:$0x3FA8]  }
0x29: {  	s4 =	sld [smem:$0x3FAA]  }
0x2a: {  	p0 =	seq.s32 s5, $0x0;
	s5 =	sld [smem:$0x3FAB]  }
0x2b: {  	s6 =	sld [smem:$0x3FAC]  }
0x2c: {  	s7 =	sld [smem:$0x3FAD]  }
0x2d: {  	s3 =	simm.s32 $0x108;
	s8 =	sld [smem:$0x3FAE]  }
0x2e: {  	s3 =	simm.s32 @!p0 $0x1082;
	s9 =	sld [smem:$0x3FAF]  }
0x2f: {  	lr =	sadd.s32 s0, s3;
	s0 =	sld [smem:$0x3FA6]  }
0x30: {  	s3 =	sld [smem:$0x3FA9]  }
0x31: {  	[smem:$0x3FB2] =	sst s10  }
0x32: {  	s10 =	sld [smem:$0x3FB0];
	_ =	sdelay $0x3  }
0x33: {  	p0 =	seq.s32 s10, $0x1;
	s10 =	sld [smem:$0x3FB2];
	_ =	sdelay $0x3  }
0x34: {  	[smem:$0x3FB2] =	sst s10  }
0x35: {  	s10 =	sld [smem:$0x3FB1];
	_ =	sdelay $0x3  }
0x36: {  	p1 =	seq.s32 s10, $0x1;
	s10 =	sld [smem:$0x3FB2];
	_ =	sdelay $0x3  }
0x37: {  	[smem:$0x3FB2] =	sst s10  }
0x38: {  	s10 =	sld [smem:$0x3FB3]  }
0x39: {  	_ = 	snop;
	(pc) =	sbr.ind lr, $3  }
0x3a: {  	_ = 	snop  }
0x3b: {  	_ = 	snop  }
0x3c: {  	p2 =	seq.s32 s10, $0x1;
	s10 =	sld [smem:$0x3FB2]  }
0x3d: {  	_ =	shalt  }
0x3e: {  	_ =	shalt  }
0x3f: {  	_ =	shalt  }
0x40: {  	_ =	shalt  }
0x41: {  	_ =	shalt  }
0x42: {  	_ =	shalt  }
0x43: {  	_ =	shalt  }
0x44: {  	_ =	shalt  }
0x45: {  	_ =	shalt  }
0x46: {  	_ =	shalt  }
0x47: {  	_ =	shalt  }
0x48: {  	_ =	shalt  }
0x49: {  	_ =	shalt  }
0x4a: {  	_ =	shalt  }
0x4b: {  	_ =	shalt  }
0x4c: {  	_ =	shalt  }
0x4d: {  	_ =	shalt  }
0x4e: {  	_ =	shalt  }
0x4f: {  	_ =	shalt  }
0x50: {  	_ =	shalt  }
0x51: {  	_ =	shalt  }
0x52: {  	_ =	shalt  }
0x53: {  	_ =	shalt  }
0x54: {  	_ =	shalt  }
0x55: {  	_ =	shalt  }
0x56: {  	_ =	shalt  }
0x57: {  	_ =	shalt  }
0x58: {  	_ =	shalt  }
0x59: {  	_ =	shalt  }
0x5a: {  	_ =	shalt  }
0x5b: {  	_ =	shalt  }
0x5c: {  	_ =	shalt  }
0x5d: {  	_ =	shalt  }
0x5e: {  	_ =	shalt  }
0x5f: {  	_ =	shalt  }
0x60: {  	_ =	shalt  }
0x61: {  	_ =	shalt  }
0x62: {  	_ =	shalt  }
0x63: {  	_ =	shalt  }
0x64: {  	_ =	shalt  }
0x65: {  	_ =	shalt  }
0x66: {  	_ =	shalt  }
0x67: {  	_ =	shalt  }
0x68: {  	_ =	shalt  }
0x69: {  	_ =	shalt  }
0x6a: {  	_ =	shalt  }
0x6b: {  	_ =	shalt  }
0x6c: {  	_ =	shalt  }
0x6d: {  	_ =	shalt  }
0x6e: {  	_ =	shalt  }
0x6f: {  	_ =	shalt  }
0x70: {  	_ =	shalt  }
0x71: {  	_ =	shalt  }
0x72: {  	_ =	shalt  }
0x73: {  	_ =	shalt  }
0x74: {  	_ =	shalt  }
0x75: {  	_ =	shalt  }
0x76: {  	_ =	shalt  }
0x77: {  	_ =	shalt  }
0x78: {  	_ =	shalt  }
0x79: {  	_ =	shalt  }
0x7a: {  	_ =	shalt  }
0x7b: {  	_ =	shalt  }
0x7c: {  	_ =	shalt  }
0x7d: {  	_ =	shalt  }
0x7e: {  	_ =	shalt  }
0x7f: {  	_ =	shalt  }
0x80: {  	_ =	shalt  }
0x81: {  	_ =	shalt  }
0x82: {  	_ =	shalt  }
0x83: {  	_ =	shalt  }
0x84: {  	_ =	shalt  }
0x85: {  	_ =	shalt  }
0x86: {  	_ =	shalt  }
0x87: {  	_ =	shalt  }
.Lfunc_end0:
.L_simem_size_0:
called_computation_lowered:
.L_overlay_start_0:
0x88: {  	s2 =	sld [smem:$0x3FD9]  }
0x89: {  	s3 =	sld [smem:$0x3FFE];
	_ =	sdelay $0x1  }
0x8a: {  	s1 =	srdreg.scid  }
0x8b: {  	s0 =	sand.u32 $0x1, s1  }
0x8c: {  	s17 =	sshll.u32 s0, $0xA;
	s2 =	sadd.s32 s3, s2  }
0x8d: {  	s2 =	sadd.s32 s2, s17  }
0x8e: {  	[smem:$0x3FBE] =	sst s2  }
0x8f: {  	_ = 	snop  }
0x90: {  	(tm) =	ssettm $0x1  }
0x91: {  	s18 =	sld [smem:$0x3FFB];
	_ =	sdelay $0x3  }
0x92: {  	_ =	strace s18  }
0x93: {  	s2 =	sld [smem:$0x3FFC];
	_ =	sdelay $0x3  }
0x94: {  	_ =	strace s2  }
0x95: {  	s2 =	sld [smem:$0x3FFD];
	_ =	sdelay $0x3  }
0x96: {  	_ =	strace s2  }
0x97: {  	_ =	strace $0x8FFFFFFF  }
0x98: {  	s19 =	sld [smem:$0x3FDB];
	_ =	sdelay $0x1  }
0x99: {  	s20 =	simm.s32 $_scs_section_size  }
0x9a: {  	s4 =	simm.s32 $_size__tile_overlayer_lowered;
	s5 =	simm.s32 $_tile_overlayer_lowered  }
0x9b: {  	s6 =	simm.s32 $0x1BFF;
	s21 =	sshll.u32 s5, $0x1;
	s3 =	sadd.s32 s20, s19  }
0x9c: {  	s22 =	simm.s32 $0x0;
	s4 =	sshll.u32 s4, $0x1;
	s5 =	sadd.s32 s21, s3  }
0x9d: {  	[timem:s22], [sflag:s6] =	dma.local [hbm:s5], s4  }
0x9e: {  	_ =	swait.ge [sflag:s6], s4  }
0x9f: {  	s4 =	ssub.s32 $0x0, s4;
	[sflag:s6] =	ssyncset.done $0x0  }
0xa0: {  	[sflag:s6] =	ssyncadd.s32 s4;
	_ =	sdelay $0x1  }
0xa1: {  	s23 =	simm.s32 $0x1B8B  }
0xa2: {  	_ =	swait.ge [sflag:s23], $0x1  }
0xa3: {  	[sflag:s23] =	ssyncset.done $0x0  }
0xa4: {  	[sflag:s23] =	ssyncadd.s32 $0xFFFFFFFF  }
0xa5: {  	s4 =	sld [smem:$0x0]  }
0xa6: {  	s5 =	sand.u32 $0xFFFFFFFE, s1  }
0xa7: {  	p0 =	sne.s32 s1, s5  }
0xa8: {  	s5 =	sshll.u32 @p0 s5, $0xE  }
0xa9: {  	s5 =	sadd.s32 @p0 $0x11B8D, s5;
	s6 =	sshll.u32 @p0 s4, $0x11  }
0xaa: {  	s5 =	sor.u32 @p0 s6, s5  }
0xab: {  	[sflag:s5] =	ssyncadd.remote.s32 @p0 $0x1;
	_ =	sdelay $0x1  }
0xac: {  	s5 =	simm.s32 @p0 $0x1B8D  }
0xad: {  	_ =	swait.eq @p0 [sflag:s5], $0x1  }
0xae: {  	[sflag:s5] =	ssyncadd.s32 @p0 $0xFFFFFFFF  }
0xaf: {  	s6 =	sshll.u32 @!p0 s1, $0xE  }
0xb0: {  	s6 =	sor.u32 @!p0 $0x4000, s6;
	s5 =	simm.s32 @!p0 $0x1B8D  }
0xb1: {  	s4 =	sshll.u32 @!p0 s4, $0x11;
	s6 =	sadd.s32 @!p0 $0x11B8D, s6;
	_ =	swait.eq @!p0 [sflag:s5], $0x1  }
0xb2: {  	s4 =	sor.u32 @!p0 s4, s6;
	[sflag:s5] =	ssyncadd.s32 @!p0 $0xFFFFFFFF  }
0xb3: {  	s25 =	simm.s32 $0x1B8E;
	s24 =	sld [smem:$0x3FFE];
	[sflag:s4] =	ssyncadd.remote.s32 @!p0 $0x1  }
0xb4: {  	s26 =	simm.s32 $execute0_lowered;
	[smem:$0x3FD2] =	sst s25  }
0xb5: {  	s5 =	sshll.u32 s26, $0x1;
	_ =	strace $0x80000049;
	[dreg:$0x1] =	wrdreg $0xFFFFFFFF  }
0xb6: {  	s28 =	simm.s32 $_size_execute0_lowered;
	s3 =	sadd.s32 s3, s5;
	[dreg:$0x0] =	wrdreg $0x0  }
0xb7: {  	s5 =	sshll.u32 s28, $0x1;
	[dreg:$0x2] =	wrdreg s3  }
0xb8: {  	[dreg:$0x3] =	wrdreg s5  }
0xb9: {  	[dreg:$0x4] =	wrdreg $0xC0  }
0xba: {  	_ =	task [dreg:s22], $0x5FFFF  }
0xbb: {  	[dreg:$0x1] =	wrdreg $0xFFFFFFFF  }
0xbc: {  	[dreg:$0x0] =	wrdreg $0x60  }
0xbd: {  	[dreg:$0x2] =	wrdreg s24  }
0xbe: {  	[dreg:$0x3] =	wrdreg $0x9  }
0xbf: {  	_ =	task.clear_ibuf [dreg:s22], $0x4FFFF;
	_ =	strace $0x90000049  }
0xc0: {  	s29 =	simm.s32 $0x9;
	_ =	strace $0x8000004B  }
0xc1: {  	_ =	swait.ge [sflag:s29], $0x1  }
0xc2: {  	[sflag:s29] =	ssyncadd.s32 $0xFFFFFFFF  }
0xc3: {  	_ =	strace $0x9000004B  }
0xc4: {  	_ =	sfence  }
0xc5: {  	s30 =	sld [smem:$0x0];
	_ =	sdelay $0x2  }
0xc6: {  	s31 =	sshll.u32 s1, $0xD;
	s1 =	sshrl.u32 s1, $0x2  }
0xc7: {  	s4 =	sand.u32 $0x4000, s31;
	s1 =	sadd.s32 s1, s30  }
0xc8: {  	s0 =	sor.u32 s4, s0;
	s1 =	sshll.u32 s1, $0x11  }
0xc9: {  	s0 =	sor.u32 s1, s0  }
0xca: {  	s0 =	sadd.s32 $0x8F2B, s0  }
0xcb: {  	[sflag:s0] =	ssyncadd.remote.s32 $0x1  }
0xcc: {  	_ =	sfence.sel $0xFFFF  }
0xcd: {  	[dreg:$0x0] =	wrdreg $0xFFFFFFFF;
	(pc) =	sbr.abs _section_cstart, $3  }
0xce: {  	[dreg:$0x1] =	wrdreg $0xFFFFFFFF  }
0xcf: {  	_ =	task.clear_ibuf [dreg:s22], $0x2FFFF;
	_ =	strace $0x9FFFFFFF  }
0xd0: {  	(tm) =	ssettm $0x7FFFFFFF  }
0xd1: {  	_ =	shalt  }
tec
execute0_lowered:
.L_overlay_start_1:
0x0: {  	(tag) =	ssettag $0x1  }
0x1: {  	s8 =	rddreg [dreg:$0x0]  }
0x2: {  	s0 =	rddreg [dreg:$0x1];
	_ =	strace $0x8000004A;
	s1 =	stileid.u32  }
0x3: {  	s3 =	srdreg.scid;
	s4 =	simm.s32 $0x1;
	s7 =	simm.s32 $0x1  }
0x4: {  	s9 =	simm.s32 $0x1;
	s10 =	simm.s32 $0x3;
	s13 =	simm.s32 $0x0  }
0x5: {  	s12 =	simm.s32 $0x0;
	s5 =	sand.u32 $0x1, s3;
	s6 =	sshll.u32 s1, $0x1  }
0x6: {  	s2 =	sadd.s32 $0x400, s8;
	s3 =	sadd.s32 $0x14000, s8;
	s5 =	sor.u32 s6, s5  }
.Ltmp0:
0x7: {  	[sflag:s4] =	ssyncpa.u1 $0x0;
	p0 =	slt.u32 s5, $0x9;
	(pc) =	sbr.rel .LBB2_1-.Ltmp0, $4  }
0x8: {  	s6 =	simm.s32 $0x2;
	s7 =	simm.s32 @!p0 $0x0;
	p0 =	sne.s32 s5, $0x8  }
0x9: {  	[sflag:s6] =	ssyncpa.u1 $0x0;
	s5 =	smul.u32 $0x1F40, s5;
	s9 =	simm.s32 @!p0 $0x0  }
0xa: {  	s8 =	sadd.s32 $0x4FC00, s8;
	[sflag:s10] =	ssyncpa.u1 $0x0;
	s7 =	sadd.s32 s9, s7  }
0xb: {  	vm0 =	vmmov $0xffff;
	s10 =	simm.s32 $0x0;
	s11 =	smov.u32 s5;
	s9 =	sadd.s32 $0x1, s7  }
.LBB2_4:
0xc: {  	v2 =	vnsel vm1, $0x0, v2  }
0xd: {  	vm1 =	vgt.s32 v0, $0x0;
	v2 =	vmin.u32 v2, $0x4E1FF  }
0xe: {  	v0 =	vnsel vm1, $0x0, v0  }
0xf: {  	v0 =	vmin.u32 v0, $0x4E1FF  }
0x10: {  	[tilespmem:s18], [sflag:$0x1] =	stream.indirect_vreg.gather [hbm4b:s2+s10], $0x1, v1, vm0, $0x4038;
	[tilespmem:$0x7D00] =	vst v63  }
0x11: {  	(ifvalue) =	ssetifvalue $0x7FFFFFFF  }
0x12: {  	[tilespmem:s15], [sflag:$0x1] =	stream.indirect_vreg.gather [hbm4b:s2+s10], $0x1, v2, vm0, $0x4038;
	[tilespmem:$0x7D00] =	vst v63  }
0x13: {  	s29 =	sadd.s32 $0x10, s15;
	(ifvalue) =	ssetifvalue $0x7FFFFFFF  }
0x14: {  	[tilespmem:s29], [sflag:$0x1] =	stream.indirect_vreg.gather [hbm4b:s2+s10], $0x1, v0, vm0, $0x4038;
	[tilespmem:$0x7D00] =	vst v63  }
0x15: {  	_ =	swait.ge [sflag:s4], $0x1F40  }
0x16: {  	s30 =	sshrl.u32 s13, $0x3;
	[sflag:s4] =	ssyncset.done $0x0  }
0x17: {  	s31 =	sand.u32 $0x7, s13;
	s15 =	sadd.s32 s8, s30;
	[sflag:s4] =	ssyncadd.s32 $0xFFFFE0C0  }
0x18: {  	[hbm4b:s15+s31] =	stream.linear.scatter [tilespmem:s14], [sflag:$0x3], $0x1F40, $0x38;
	[tilespmem:$0x7D00] =	vst v63  }
.LBB2_5:
0x19: {  	s15 =	sadd.s32 $0x3E800, s11  }
0x1a: {  	p1 =	sgt.s32 s15, $0x4E1FF  }
0x1b: {  	s15 =	smov.u32 @p1 s5;
	p1 =	sne.s32 s12, s9  }
.Ltmp1:
0x1c: {  	p0 =	slt.u32 s12, $0x2;
	(pc) =	sbr.rel @!p1 .LBB2_6-.Ltmp1, $4  }
0x1d: {  	s14 =	simm.s32 @!p0 $0x3  }
0x1e: {  	_ =	swait.ge @!p0 [sflag:s14], $0x1F40  }
0x1f: {  	s16 =	sadd.s32 $0x1, s12;
	s13 =	smov.u32 s11;
	[sflag:s14] =	ssyncset.done @!p0 $0x0  }
0x20: {  	s12 =	smov.u32 s16;
	s11 =	smov.u32 s15;
	[sflag:s14] =	ssyncadd.s32 @!p0 $0xFFFFE0C0  }
.LBB2_1:
0x21: {  	p0 =	sge.u32 s12, s7  }
0x22: {  	s14 =	sxor.u32 @!p0 $0x1, s12  }
0x23: {  	s14 =	smul.u32 @!p0 $0x7D00, s14  }
0x24: {  	s31 =	sadd.s32 $0xFFFFFFFF, s12;
	s15 =	sshrl.u32 @!p0 s11, $0x3  }
0x25: {  	s16 =	sand.u32 @!p0 $0x7, s11;
	s15 =	sadd.s32 @!p0 s3, s15;
	s14 =	sshra.s32 @!p0 s14, $0x2  }
0x26: {  	[tilespmem:s14], [sflag:$0x2] =	stream.linear.gather @!p0 [hbm4b:s15+s16], $0x1F40, $0x38;
	[tilespmem:$0x7D00] =	vst v63  }
0x27: {  	p0 =	sge.u32 s31, s7  }
.Ltmp2:
0x28: {  	_ = 	snop;
	(pc) =	sbr.rel @p0 .LBB2_5-.Ltmp2, $1  }
0x29: {  	_ =	sdelay $0x3  }
0x2a: {  	s14 =	sand.u32 $0x1, s12  }
0x2b: {  	_ =	swait.ge [sflag:s6], $0x1F40;
	p0 =	seq.s32 s14, $0x1;
	s14 =	simm.s32 $0x1F40  }
0x2c: {  	[sflag:s6] =	ssyncset.done $0x0;
	s14 =	simm.s32 @!p0 $0x0  }
0x2d: {  	[sflag:s6] =	ssyncadd.s32 $0xFFFFE0C0;
	(ifvalue) =	ssetifvalue $0x7FFFFFFF;
	v0 =	vld.msk [tilespmem:s14+$0x0 ss:$0x1], $0xffff;
	_ =	sdelay $0x4  }
0x2e: {  	s15 =	sadd.s32 $0x10, s14;
	vm1 =	vgt.s32 v0, $0x0  }
0x2f: {  	v2 =	vld.msk [tilespmem:s15+$0x0 ss:$0x1], $0xffff;
	v1 =	vnsel vm1, $0x0, v0  }
0x30: {  	v1 =	vmin.u32 v1, $0x4E1FF;
	_ =	sdelay $0x2  }
0x31: {  	s17 =	simm.s32 $0x20;
	s14 =	sadd.s32 $0x3E80, s14;
	s16 =	sadd.s32 $0x10, s15  }
0x32: {  	s15 =	sadd.s32 $0x10, s14;
	s18 =	smov.u32 s14;
	v0 =	vld.msk [tilespmem:s16+$0x0 ss:$0x1], $0xffff;
	vm1 =	vgt.s32 v2, $0x0;
	(ifvalue) =	ssetifvalue $0x7FFFFFFF  }
.LBB2_3:
0x33: {  	[tilespmem:s18], [sflag:$0x1] =	stream.indirect_vreg.gather [hbm4b:s2+s10], $0x1, v1, vm0, $0x4038;
	[tilespmem:$0x7D00] =	vst v63  }
0x34: {  	s17 =	sadd.s32 $0x10, s17  }
0x35: {  	v2 =	vnsel vm1, $0x0, v2;
	p0 =	slt.u32 s17, $0x1F30  }
.Ltmp3:
0x36: {  	s18 =	smov.u32 s15;
	v1 =	vmin.u32 v2, $0x4E1FF;
	(pc) =	sbr.rel @p0 .LBB2_3-.Ltmp3, $3  }
0x37: {  	_ =	sdelay $0x1  }
0x38: {  	s16 =	sadd.s32 $0x10, s16  }
0x39: {  	vm1 =	vgt.s32 v0, $0x0;
	s15 =	sadd.s32 $0x10, s15;
	v2 =	vmov v0;
	(ifvalue) =	ssetifvalue $0x7FFFFFFF;
	v0 =	vld.msk [tilespmem:s16+$0x0 ss:$0x1], $0xffff  }
.Ltmp4:
0x3a: {  	_ = 	snop;
	(pc) =	sbr.rel .LBB2_4-.Ltmp4, $1  }
0x3b: {  	_ =	sdelay $0x3  }
.LBB2_6:
0x3c: {  	_ =	sfence.sel $0x180000  }
0x3d: {  	s2 =	simm.s32 $0x2;
	[bflag:$0x0] =	sbarrier.arrive $0xFFFF  }
0x3e: {  	s30 =	simm.s32 $0x3;
	[sflag:s2] =	ssyncpa.u1 $0x1  }
0x3f: {  	s31 =	simm.s32 $0x1;
	[sflag:s30] =	ssyncpa.u1 $0x1  }
0x40: {  	[sflag:s31] =	ssyncpa.u1 $0x1  }
0x41: {  	p0 =	sne.s32 s1, $0x0;
	_ =	strace $0x9000004A  }
0x42: {  	s0 =	sadd.s32 @!p0 $0x100000, s0;
	[bflag:$0x2] =	sbarrier.arrive $0xFFFF  }
0x43: {  	[sflag:s0] =	ssyncadd.tile.s32 @!p0 $0x1;
	_ =	shalt  }
.Lfunc_end2:
_tile_overlayer_lowered:
.L_overlay_start_2:
0x44: {  	(tag) =	ssettag $0x2  }
0x45: {  	s0 =	rddreg [dreg:$0x0];
	s2 =	stileid.u32  }
0x46: {  	s1 =	rddreg [dreg:$0x1];
	p0 =	sne.s32 s2, $0x0  }
0x47: {  	s3 =	rddreg [dreg:$0x2];
	[bflag:$0x3] =	sbarrier.arrive $0xFFFF;
	s2 =	simm.s32 @!p0 $0x1C01  }
0x48: {  	[timem:s3], [sflag:s2] =	dma.local @!p0 [hbm:s0], s1  }
0x49: {  	s0 =	simm.s32 @!p0 $0x1  }
0x4a: {  	_ =	swait.ge @!p0 [sflag:s0], s1  }
0x4b: {  	s1 =	ssub.s32 @!p0 $0x0, s1;
	[sflag:s0] =	ssyncset.done @!p0 $0x0  }
0x4c: {  	[sflag:s0] =	ssyncadd.s32 @!p0 s1  }
0x4d: {  	[bflag:$0x3] =	sbarrier.arrive $0xFFFF  }
0x4e: {  	_ =	shalt  }

// kernel: kernel.18.cloned.1.call-start
scs
__scs_entry_jumppad:
0x0: {  	(pc) =	sbr.rel $0x88, $3  }
0x1: {  	(tag) =	ssettag $0x0;
	lr =	simm.s32 $0x1  }
0x2: {  	[smem:$0x3F97] =	sst lr;
	_ =	strace $0xD0000000  }
0x3: {  	_ = 	snop  }
0x4: {  	_ = 	snop  }
0x5: {  	_ = 	snop  }
0x6: {  	_ = 	snop  }
0x7: {  	_ = 	snop  }
__scs_overlays_trampoline_lowered:
0x8: {  	[smem:$0x3FA6] =	sst s0  }
0x9: {  	[smem:$0x3FA7] =	sst s1  }
0xa: {  	[smem:$0x3FA8] =	sst s2  }
0xb: {  	[smem:$0x3FA9] =	sst s3  }
0xc: {  	[smem:$0x3FAA] =	sst s4  }
0xd: {  	[smem:$0x3FAB] =	sst s5  }
0xe: {  	[smem:$0x3FAC] =	sst s6  }
0xf: {  	[smem:$0x3FAD] =	sst s7  }
0x10: {  	[smem:$0x3FAE] =	sst s8  }
0x11: {  	[smem:$0x3FAF] =	sst s9;
	s0 =	simm.s32 @!p0 $0x0  }
0x12: {  	s1 =	sld [smem:$0x3F95];
	s0 =	simm.s32 @p0 $0x1  }
0x13: {  	[smem:$0x3FB0] =	sst s0;
	s0 =	simm.s32 @!p1 $0x0  }
0x14: {  	s2 =	sld [smem:$0x3F94];
	s0 =	simm.s32 @p1 $0x1  }
0x15: {  	[smem:$0x3FB1] =	sst s0;
	s0 =	simm.s32 @!p2 $0x0  }
0x16: {  	s3 =	sld [smem:$0x3FDB];
	s0 =	simm.s32 @p2 $0x1  }
0x17: {  	s4 =	simm.s32 $0x1BF5;
	[smem:$0x3FB3] =	sst s0  }
0x18: {  	s0 =	sld [smem:$0x3F96];
	_ =	swait.ge [sflag:s4], $0x0  }
0x19: {  	s7 =	sld [smem:$0x3F97]  }
0x1a: {  	s8 =	sadd.s32 $0xFFFFE003, lr  }
0x1b: {  	s9 =	sadd.s32 $0xFFFFFEF7, lr;
	s5 =	simm.s32 $0xFFFFFFFF;
	p2 =	slt.u32 s8, $0xFFFFF086  }
0x1c: {  	p1 =	slt.u32 s9, $0xF7A;
	s5 =	simm.s32 @!p2 $0x0  }
0x1d: {  	s5 =	simm.s32 @p1 $0x1;
	p0 =	seq.s32 s7, s2  }
0x1e: {  	s7 =	smul.u32 @!p0 $0xF7A, s2;
	p2 =	seq.s32 @!p0 s5, $0x0  }
0x1f: {  	s9 =	smul.u32 $0xF7A, s1;
	s8 =	simm.s32 @!p0 $0x1BF5;
	p2 =	por !p2, p0  }
0x20: {  	[sflag:s8] =	ssyncset.s32 @!p0 $0xFFFFF086;
	s6 =	sadd.s32 @!p0 s3, s7;
	s7 =	simm.s32 @!p0 $0x108  }
0x21: {  	s3 =	sadd.s32 s3, s9;
	s6 =	sadd.s32 @!p0 $0x88, s6;
	s7 =	simm.s32 @p2 $0x1082  }
0x22: {  	[simem:s7], [sflag:s8] =	dma.local @!p0 [hbm:s6], $0xF7A  }
0x23: {  	s9 =	sor.u32 $0xD0000000, s2;
	s6 =	simm.s32 $0x108;
	_ =	swait.ge @!p0 [sflag:s8], $0x0  }
0x24: {  	s3 =	sadd.s32 $0x88, s3;
	s6 =	simm.s32 @!p1 $0x1082;
	[sflag:s4] =	ssyncset.s32 $0xFFFFF086  }
0x25: {  	[simem:s6], [sflag:s4] =	dma.local [hbm:s3], $0xF7A  }
0x26: {  	[smem:$0x3F97] =	sst s1;
	(tag) =	ssettag s2;
	_ =	strace s9  }
0x27: {  	s1 =	sld [smem:$0x3FA7]  }
0x28: {  	s2 =	sld [smem:$0x3FA8]  }
0x29: {  	s4 =	sld [smem:$0x3FAA]  }
0x2a: {  	p0 =	seq.s32 s5, $0x0;
	s5 =	sld [smem:$0x3FAB]  }
0x2b: {  	s6 =	sld [smem:$0x3FAC]  }
0x2c: {  	s7 =	sld [smem:$0x3FAD]  }
0x2d: {  	s3 =	simm.s32 $0x108;
	s8 =	sld [smem:$0x3FAE]  }
0x2e: {  	s3 =	simm.s32 @!p0 $0x1082;
	s9 =	sld [smem:$0x3FAF]  }
0x2f: {  	lr =	sadd.s32 s0, s3;
	s0 =	sld [smem:$0x3FA6]  }
0x30: {  	s3 =	sld [smem:$0x3FA9]  }
0x31: {  	[smem:$0x3FB2] =	sst s10  }
0x32: {  	s10 =	sld [smem:$0x3FB0];
	_ =	sdelay $0x3  }
0x33: {  	p0 =	seq.s32 s10, $0x1;
	s10 =	sld [smem:$0x3FB2];
	_ =	sdelay $0x3  }
0x34: {  	[smem:$0x3FB2] =	sst s10  }
0x35: {  	s10 =	sld [smem:$0x3FB1];
	_ =	sdelay $0x3  }
0x36: {  	p1 =	seq.s32 s10, $0x1;
	s10 =	sld [smem:$0x3FB2];
	_ =	sdelay $0x3  }
0x37: {  	[smem:$0x3FB2] =	sst s10  }
0x38: {  	s10 =	sld [smem:$0x3FB3]  }
0x39: {  	_ = 	snop;
	(pc) =	sbr.ind lr, $3  }
0x3a: {  	_ = 	snop  }
0x3b: {  	_ = 	snop  }
0x3c: {  	p2 =	seq.s32 s10, $0x1;
	s10 =	sld [smem:$0x3FB2]  }
0x3d: {  	_ =	shalt  }
0x3e: {  	_ =	shalt  }
0x3f: {  	_ =	shalt  }
0x40: {  	_ =	shalt  }
0x41: {  	_ =	shalt  }
0x42: {  	_ =	shalt  }
0x43: {  	_ =	shalt  }
0x44: {  	_ =	shalt  }
0x45: {  	_ =	shalt  }
0x46: {  	_ =	shalt  }
0x47: {  	_ =	shalt  }
0x48: {  	_ =	shalt  }
0x49: {  	_ =	shalt  }
0x4a: {  	_ =	shalt  }
0x4b: {  	_ =	shalt  }
0x4c: {  	_ =	shalt  }
0x4d: {  	_ =	shalt  }
0x4e: {  	_ =	shalt  }
0x4f: {  	_ =	shalt  }
0x50: {  	_ =	shalt  }
0x51: {  	_ =	shalt  }
0x52: {  	_ =	shalt  }
0x53: {  	_ =	shalt  }
0x54: {  	_ =	shalt  }
0x55: {  	_ =	shalt  }
0x56: {  	_ =	shalt  }
0x57: {  	_ =	shalt  }
0x58: {  	_ =	shalt  }
0x59: {  	_ =	shalt  }
0x5a: {  	_ =	shalt  }
0x5b: {  	_ =	shalt  }
0x5c: {  	_ =	shalt  }
0x5d: {  	_ =	shalt  }
0x5e: {  	_ =	shalt  }
0x5f: {  	_ =	shalt  }
0x60: {  	_ =	shalt  }
0x61: {  	_ =	shalt  }
0x62: {  	_ =	shalt  }
0x63: {  	_ =	shalt  }
0x64: {  	_ =	shalt  }
0x65: {  	_ =	shalt  }
0x66: {  	_ =	shalt  }
0x67: {  	_ =	shalt  }
0x68: {  	_ =	shalt  }
0x69: {  	_ =	shalt  }
0x6a: {  	_ =	shalt  }
0x6b: {  	_ =	shalt  }
0x6c: {  	_ =	shalt  }
0x6d: {  	_ =	shalt  }
0x6e: {  	_ =	shalt  }
0x6f: {  	_ =	shalt  }
0x70: {  	_ =	shalt  }
0x71: {  	_ =	shalt  }
0x72: {  	_ =	shalt  }
0x73: {  	_ =	shalt  }
0x74: {  	_ =	shalt  }
0x75: {  	_ =	shalt  }
0x76: {  	_ =	shalt  }
0x77: {  	_ =	shalt  }
0x78: {  	_ =	shalt  }
0x79: {  	_ =	shalt  }
0x7a: {  	_ =	shalt  }
0x7b: {  	_ =	shalt  }
0x7c: {  	_ =	shalt  }
0x7d: {  	_ =	shalt  }
0x7e: {  	_ =	shalt  }
0x7f: {  	_ =	shalt  }
0x80: {  	_ =	shalt  }
0x81: {  	_ =	shalt  }
0x82: {  	_ =	shalt  }
0x83: {  	_ =	shalt  }
0x84: {  	_ =	shalt  }
0x85: {  	_ =	shalt  }
0x86: {  	_ =	shalt  }
0x87: {  	_ =	shalt  }
.Lfunc_end0:
.L_simem_size_0:
called_computation.2_lowered:
.L_overlay_start_0:
0x88: {  	s2 =	sld [smem:$0x3FD9]  }
0x89: {  	s3 =	sld [smem:$0x3FFE];
	_ =	sdelay $0x1  }
0x8a: {  	s1 =	srdreg.scid  }
0x8b: {  	s0 =	sand.u32 $0x1, s1  }
0x8c: {  	s16 =	sshll.u32 s0, $0xA;
	s2 =	sadd.s32 s3, s2  }
0x8d: {  	s2 =	sadd.s32 s2, s16  }
0x8e: {  	[smem:$0x3FBE] =	sst s2  }
0x8f: {  	_ = 	snop  }
0x90: {  	(tm) =	ssettm $0x1  }
0x91: {  	s17 =	sld [smem:$0x3FFB];
	_ =	sdelay $0x3  }
0x92: {  	_ =	strace s17  }
0x93: {  	s2 =	sld [smem:$0x3FFC];
	_ =	sdelay $0x3  }
0x94: {  	_ =	strace s2  }
0x95: {  	s2 =	sld [smem:$0x3FFD];
	_ =	sdelay $0x3  }
0x96: {  	_ =	strace s2  }
0x97: {  	_ =	strace $0x8FFFFFFF  }
0x98: {  	s18 =	sld [smem:$0x3FDB];
	_ =	sdelay $0x1  }
0x99: {  	s19 =	simm.s32 $_scs_section_size  }
0x9a: {  	s4 =	simm.s32 $_size__tile_overlayer_lowered;
	s5 =	simm.s32 $_tile_overlayer_lowered  }
0x9b: {  	s22 =	simm.s32 $0x1BFF;
	s21 =	sshll.u32 s5, $0x1;
	s2 =	sadd.s32 s19, s18  }
0x9c: {  	s6 =	simm.s32 $0x0;
	s20 =	sshll.u32 s4, $0x1;
	s4 =	sadd.s32 s21, s2  }
0x9d: {  	[timem:s6], [sflag:s22] =	dma.local [hbm:s4], s20  }
0x9e: {  	_ =	swait.ge [sflag:s22], s20  }
0x9f: {  	s3 =	ssub.s32 $0x0, s20;
	[sflag:s22] =	ssyncset.done $0x0  }
0xa0: {  	[sflag:s22] =	ssyncadd.s32 s3;
	_ =	sdelay $0x1  }
0xa1: {  	s23 =	simm.s32 $0x1B8B  }
0xa2: {  	_ =	swait.ge [sflag:s23], $0x1  }
0xa3: {  	[sflag:s23] =	ssyncset.done $0x0  }
0xa4: {  	s25 =	simm.s32 $0x1B8E;
	s24 =	sld [smem:$0x3FFE];
	[sflag:s23] =	ssyncadd.s32 $0xFFFFFFFF  }
0xa5: {  	s26 =	simm.s32 $execute0_lowered;
	[smem:$0x3FD2] =	sst s25  }
0xa6: {  	s4 =	sshll.u32 s26, $0x1;
	_ =	strace $0x8000004C;
	[dreg:$0x1] =	wrdreg $0xFFFFFFFF  }
0xa7: {  	s28 =	simm.s32 $_size_execute0_lowered;
	s2 =	sadd.s32 s2, s4;
	[dreg:$0x0] =	wrdreg $0x0  }
0xa8: {  	s4 =	sshll.u32 s28, $0x1;
	[dreg:$0x2] =	wrdreg s2  }
0xa9: {  	[dreg:$0x3] =	wrdreg s4  }
0xaa: {  	[dreg:$0x4] =	wrdreg $0xC0  }
0xab: {  	_ =	task [dreg:s6], $0x5FFFF  }
0xac: {  	[dreg:$0x1] =	wrdreg $0xFFFFFFFF  }
0xad: {  	[dreg:$0x0] =	wrdreg $0x60  }
0xae: {  	[dreg:$0x2] =	wrdreg s24  }
0xaf: {  	[dreg:$0x3] =	wrdreg $0x90000  }
0xb0: {  	[dreg:$0x4] =	wrdreg $0x9  }
0xb1: {  	_ =	task.clear_ibuf [dreg:s6], $0x5FFFF;
	_ =	strace $0x9000004C  }
0xb2: {  	s29 =	simm.s32 $0x9;
	_ =	strace $0x8000004E  }
0xb3: {  	_ =	swait.ge [sflag:s29], $0x1  }
0xb4: {  	[sflag:s29] =	ssyncadd.s32 $0xFFFFFFFF  }
0xb5: {  	_ =	strace $0x9000004E  }
0xb6: {  	_ =	sfence  }
0xb7: {  	s30 =	sld [smem:$0x0];
	_ =	sdelay $0x2  }
0xb8: {  	s31 =	sshll.u32 s1, $0xD;
	s1 =	sshrl.u32 s1, $0x2  }
0xb9: {  	s3 =	sand.u32 $0x4000, s31;
	s1 =	sadd.s32 s1, s30  }
0xba: {  	s0 =	sor.u32 s3, s0;
	s1 =	sshll.u32 s1, $0x11  }
0xbb: {  	s0 =	sor.u32 s1, s0  }
0xbc: {  	s0 =	sadd.s32 $0x8F2B, s0  }
0xbd: {  	[sflag:s0] =	ssyncadd.remote.s32 $0x1  }
0xbe: {  	_ =	sfence.sel $0xFFFF  }
0xbf: {  	[dreg:$0x0] =	wrdreg $0xFFFFFFFF;
	(pc) =	sbr.abs _section_cstart, $3  }
0xc0: {  	[dreg:$0x1] =	wrdreg $0xFFFFFFFF  }
0xc1: {  	_ =	task.clear_ibuf [dreg:s6], $0x2FFFF;
	_ =	strace $0x9FFFFFFF  }
0xc2: {  	(tm) =	ssettm $0x7FFFFFFF  }
0xc3: {  	_ =	shalt  }
tec
execute0_lowered:
.L_overlay_start_1:
0x0: {  	(tag) =	ssettag $0x1  }
0x1: {  	s6 =	rddreg [dreg:$0x0]  }
0x2: {  	s2 =	rddreg [dreg:$0x1];
	s3 =	simm.s32 $0x0;
	s4 =	srdreg.scid  }
0x3: {  	s0 =	stileid.u32;
	s25 =	simm.s32 $0x5000;
	s28 =	simm.s32 $0x1  }
0x4: {  	s29 =	simm.s32 $0x0;
	[smem:$0x7FF] =	sst s3;
	s7 =	sand.u32 $0x1, s4  }
0x5: {  	s26 =	sshll.u32 s0, $0x1;
	s4 =	sadd.s32 $0x1DE00, s6;
	s11 =	smul.u32 $0x50000, s0  }
0x6: {  	s22 =	sadd.s32 $0x45E00, s6;
	s18 =	smul.u32 $0x14000, s0;
	_ =	strace $0x8000004D  }
0x7: {  	s5 =	sor.u32 s7, s26;
	s8 =	ssub.s32 $0x2, s7;
	s19 =	smul.u32 $0x140000, s7  }
0x8: {  	s26 =	simm.s32 $0x80;
	s9 =	smul.u32 $0x500, s5;
	s5 =	sadd.s32 $0x14000, s6  }
0x9: {  	s10 =	sshrl.u32 s8, $0x1;
	s30 =	sshrl.u32 s11, $0x2;
	s15 =	sadd.s32 $0x4000, s18  }
0xa: {  	s20 =	sadd.s32 $0x8000, s18;
	s21 =	sadd.s32 $0xC000, s18;
	s23 =	sadd.s32 $0x10000, s18  }
0xb: {  	s10 =	ssub.s32 s8, s10;
	s8 =	sadd.s32 s30, s2;
	s13 =	sadd.s32 s19, s18  }
0xc: {  	s16 =	sadd.s32 s19, s15;
	s15 =	sadd.s32 s15, s2;
	s17 =	sadd.s32 s20, s2  }
0xd: {  	s20 =	sadd.s32 s19, s20;
	s31 =	sadd.s32 s19, s21;
	s24 =	sadd.s32 s19, s23  }
0xe: {  	s19 =	sadd.s32 s21, s2;
	s21 =	sadd.s32 s23, s2;
	s23 =	simm.s32 $0x2  }
0xf: {  	s6 =	sadd.s32 s6, s9;
	s9 =	smax.u32 s10, $0x1;
	s10 =	sadd.s32 $0x4000, s8  }
0x10: {  	s11 =	sadd.s32 $0x8000, s8;
	s12 =	sadd.s32 $0xC000, s8;
	s14 =	sshrl.u32 s13, $0x3  }
0x11: {  	s13 =	sadd.s32 $0x10000, s8;
	s16 =	sshrl.u32 s16, $0x3;
	s20 =	sshrl.u32 s20, $0x3  }
0x12: {  	s24 =	sshrl.u32 s24, $0x3;
	s7 =	sadd.s32 $0xA000, s6;
	s14 =	sadd.s32 s22, s14  }
0x13: {  	s16 =	sadd.s32 s22, s16;
	s18 =	sadd.s32 s22, s20;
	s20 =	sshrl.u32 s31, $0x3  }
0x14: {  	s20 =	sadd.s32 s22, s20;
	s22 =	sadd.s32 s22, s24;
	s24 =	simm.s32 $0x2800  }
.LBB2_1:
0x15: {  	[tilespmem:s3], [sflag:$0x2] =	stream.linear.gather [hbm4b:s7+s3], $0x2800, $0x38;
	[tilespmem:$0x1D000] =	vst v63  }
0x16: {  	_ =	swait.ge [sflag:s23], $0x2800  }
0x17: {  	[sflag:s23] =	ssyncset.done $0x0  }
0x18: {  	[sflag:s23] =	ssyncadd.s32 $0xFFFFD800  }
0x19: {  	[tilespmem:s24], [sflag:$0x2] =	stream.linear.gather [hbm4b:s6+s3], $0x2800, $0x38;
	[tilespmem:$0x1D000] =	vst v63  }
0x1a: {  	_ =	swait.ge [sflag:s23], $0x2800  }
0x1b: {  	[sflag:s23] =	ssyncset.done $0x0  }
0x1c: {  	[sflag:s23] =	ssyncadd.s32 $0xFFFFD800  }
0x1d: {  	[tilespmem:s25], [sflag:$0x2] =	stream.linear.gather [hbm4b:s5+s3], $0x4000, $0x38;
	[tilespmem:$0x1D000] =	vst v63  }
0x1e: {  	_ =	swait.ge [sflag:s23], $0x4000  }
0x1f: {  	[sflag:s23] =	ssyncset.done $0x0  }
0x20: {  	[sflag:s23] =	ssyncadd.s32 $0xFFFFC000  }
0x21: {  	[spmem:s8] =	stream.linear.scatter [tilespmem:s25], [sflag:$0x2], $0x4000, $0x38;
	[tilespmem:$0x1D000] =	vst v63  }
0x22: {  	_ =	swait.ge [sflag:s23], $0x4000  }
0x23: {  	[sflag:s23] =	ssyncset.done $0x0  }
0x24: {  	[sflag:s23] =	ssyncadd.s32 $0xFFFFC000  }
0x25: {  	[spmem:s10] =	stream.linear.scatter [tilespmem:s25], [sflag:$0x2], $0x4000, $0x38;
	[tilespmem:$0x1D000] =	vst v63  }
0x26: {  	_ =	swait.ge [sflag:s23], $0x4000  }
0x27: {  	[sflag:s23] =	ssyncset.done $0x0  }
0x28: {  	[sflag:s23] =	ssyncadd.s32 $0xFFFFC000  }
0x29: {  	[spmem:s11] =	stream.linear.scatter [tilespmem:s25], [sflag:$0x2], $0x4000, $0x38;
	[tilespmem:$0x1D000] =	vst v63  }
0x2a: {  	_ =	swait.ge [sflag:s23], $0x4000  }
0x2b: {  	[sflag:s23] =	ssyncset.done $0x0  }
0x2c: {  	[sflag:s23] =	ssyncadd.s32 $0xFFFFC000  }
0x2d: {  	[spmem:s12] =	stream.linear.scatter [tilespmem:s25], [sflag:$0x2], $0x4000, $0x38;
	[tilespmem:$0x1D000] =	vst v63  }
0x2e: {  	_ =	swait.ge [sflag:s23], $0x4000  }
0x2f: {  	[sflag:s23] =	ssyncset.done $0x0  }
0x30: {  	[sflag:s23] =	ssyncadd.s32 $0xFFFFC000  }
0x31: {  	[spmem:s13] =	stream.linear.scatter [tilespmem:s25], [sflag:$0x2], $0x4000, $0x38;
	[tilespmem:$0x1D000] =	vst v63  }
0x32: {  	_ =	swait.ge [sflag:s23], $0x4000  }
0x33: {  	[sflag:s23] =	ssyncset.done $0x0  }
0x34: {  	[sflag:s23] =	ssyncadd.s32 $0xFFFFC000  }
0x35: {  	s30 =	simm.s32 $0x0;
	[bflag:$0x0] =	sbarrier.arrive $0xFFFF  }
0x36: {  	[tilespmem:s25], [sflag:$0x1] =	stream.indirect.gather [hbm4b:s4+s26], $0x80, s30, s26, $0xb8;
	[tilespmem:$0x1D000] =	vst v63  }
0x37: {  	_ =	swait.ge [sflag:s28], $0x4000  }
0x38: {  	[sflag:s28] =	ssyncset.done $0x0  }
0x39: {  	s30 =	simm.s32 $0x2800;
	[sflag:s28] =	ssyncadd.s32 $0xFFFFC000  }
0x3a: {  	[spmem:s2] =	stream.indirect.scatter.add.f32 [tilespmem:s25], [sflag:$0x2], $0x80, s30, s26, $0xb8;
	[tilespmem:$0x1D000] =	vst v63  }
0x3b: {  	_ =	swait.ge [sflag:s23], $0x4000  }
0x3c: {  	s31 =	simm.s32 $0x400;
	s30 =	simm.s32 $0x200;
	[sflag:s23] =	ssyncset.done $0x0  }
.LBB2_2:
0x3d: {  	s0 =	sshra.s32 s30, $0x2  }
0x3e: {  	[sflag:s23] =	ssyncadd.s32 $0xFFFFC000;
	s30 =	smov.u32 s31;
	s1 =	sadd.s32 $0x200, s31  }
0x3f: {  	[tilespmem:s25], [sflag:$0x1] =	stream.indirect.gather [hbm4b:s4+s26], $0x80, s0, s26, $0xb8;
	[tilespmem:$0x1D000] =	vst v63  }
0x40: {  	p0 =	sne.s32 s31, $0x9E00;
	_ =	swait.ge [sflag:s28], $0x4000  }
.Ltmp0:
0x41: {  	[sflag:s28] =	ssyncset.done $0x0;
	(pc) =	sbr.rel @p0 .LBB2_2-.Ltmp0, $4  }
0x42: {  	s0 =	sadd.s32 $0x2800, s0;
	[sflag:s28] =	ssyncadd.s32 $0xFFFFC000  }
0x43: {  	[spmem:s2] =	stream.indirect.scatter.add.f32 [tilespmem:s25], [sflag:$0x2], $0x80, s0, s26, $0xb8;
	[tilespmem:$0x1D000] =	vst v63  }
0x44: {  	_ =	swait.ge [sflag:s23], $0x4000  }
0x45: {  	s31 =	smov.u32 s1;
	[sflag:s23] =	ssyncset.done $0x0  }
0x46: {  	s0 =	sshra.s32 s30, $0x2;
	[sflag:s23] =	ssyncadd.s32 $0xFFFFC000  }
0x47: {  	[tilespmem:s25], [sflag:$0x1] =	stream.indirect.gather [hbm4b:s4+s26], $0x80, s0, s26, $0xb8;
	[tilespmem:$0x1D000] =	vst v63  }
0x48: {  	_ =	swait.ge [sflag:s28], $0x4000  }
0x49: {  	[sflag:s28] =	ssyncset.done $0x0  }
0x4a: {  	s0 =	sadd.s32 $0x2800, s0;
	[sflag:s28] =	ssyncadd.s32 $0xFFFFC000  }
0x4b: {  	[spmem:s2] =	stream.indirect.scatter.add.f32 [tilespmem:s25], [sflag:$0x2], $0x80, s0, s26, $0xb8;
	[tilespmem:$0x1D000] =	vst v63  }
0x4c: {  	_ =	swait.ge [sflag:s23], $0x4000  }
0x4d: {  	[sflag:s23] =	ssyncset.done $0x0  }
0x4e: {  	[sflag:s23] =	ssyncadd.s32 $0xFFFFC000  }
0x4f: {  	[bflag:$0x0] =	sbarrier.arrive $0xFFFF  }
0x50: {  	[tilespmem:s25], [sflag:$0x2] =	stream.linear.gather [spmem:s8], $0x4000, $0x38;
	[tilespmem:$0x1D000] =	vst v63  }
0x51: {  	_ =	swait.ge [sflag:s23], $0x4000  }
0x52: {  	[sflag:s23] =	ssyncset.done $0x0  }
0x53: {  	[sflag:s23] =	ssyncadd.s32 $0xFFFFC000  }
0x54: {  	[hbm4b:s14+s3] =	stream.linear.scatter [tilespmem:s25], [sflag:$0x2], $0x4000, $0x38;
	[tilespmem:$0x1D000] =	vst v63  }
0x55: {  	_ =	swait.ge [sflag:s23], $0x4000  }
0x56: {  	[sflag:s23] =	ssyncset.done $0x0  }
0x57: {  	[sflag:s23] =	ssyncadd.s32 $0xFFFFC000  }
0x58: {  	[tilespmem:s25], [sflag:$0x2] =	stream.linear.gather [spmem:s15], $0x4000, $0x38;
	[tilespmem:$0x1D000] =	vst v63  }
0x59: {  	_ =	swait.ge [sflag:s23], $0x4000  }
0x5a: {  	[sflag:s23] =	ssyncset.done $0x0  }
0x5b: {  	[sflag:s23] =	ssyncadd.s32 $0xFFFFC000  }
0x5c: {  	[hbm4b:s16+s3] =	stream.linear.scatter [tilespmem:s25], [sflag:$0x2], $0x4000, $0x38;
	[tilespmem:$0x1D000] =	vst v63  }
0x5d: {  	_ =	swait.ge [sflag:s23], $0x4000  }
0x5e: {  	[sflag:s23] =	ssyncset.done $0x0  }
0x5f: {  	[sflag:s23] =	ssyncadd.s32 $0xFFFFC000  }
0x60: {  	[tilespmem:s25], [sflag:$0x2] =	stream.linear.gather [spmem:s17], $0x4000, $0x38;
	[tilespmem:$0x1D000] =	vst v63  }
0x61: {  	_ =	swait.ge [sflag:s23], $0x4000  }
0x62: {  	[sflag:s23] =	ssyncset.done $0x0  }
0x63: {  	[sflag:s23] =	ssyncadd.s32 $0xFFFFC000  }
0x64: {  	[hbm4b:s18+s3] =	stream.linear.scatter [tilespmem:s25], [sflag:$0x2], $0x4000, $0x38;
	[tilespmem:$0x1D000] =	vst v63  }
0x65: {  	_ =	swait.ge [sflag:s23], $0x4000  }
0x66: {  	[sflag:s23] =	ssyncset.done $0x0  }
0x67: {  	[sflag:s23] =	ssyncadd.s32 $0xFFFFC000  }
0x68: {  	[tilespmem:s25], [sflag:$0x2] =	stream.linear.gather [spmem:s19], $0x4000, $0x38;
	[tilespmem:$0x1D000] =	vst v63  }
0x69: {  	_ =	swait.ge [sflag:s23], $0x4000  }
0x6a: {  	[sflag:s23] =	ssyncset.done $0x0  }
0x6b: {  	[sflag:s23] =	ssyncadd.s32 $0xFFFFC000  }
0x6c: {  	[hbm4b:s20+s3] =	stream.linear.scatter [tilespmem:s25], [sflag:$0x2], $0x4000, $0x38;
	[tilespmem:$0x1D000] =	vst v63  }
0x6d: {  	_ =	swait.ge [sflag:s23], $0x4000  }
0x6e: {  	[sflag:s23] =	ssyncset.done $0x0  }
0x6f: {  	[sflag:s23] =	ssyncadd.s32 $0xFFFFC000  }
0x70: {  	[tilespmem:s25], [sflag:$0x2] =	stream.linear.gather [spmem:s21], $0x4000, $0x38;
	[tilespmem:$0x1D000] =	vst v63  }
0x71: {  	s29 =	sadd.s32 $0x1, s29;
	_ =	swait.ge [sflag:s23], $0x4000  }
0x72: {  	p0 =	sne.s32 s29, s9;
	[sflag:s23] =	ssyncset.done $0x0  }
.Ltmp1:
0x73: {  	[sflag:s23] =	ssyncadd.s32 $0xFFFFC000;
	(pc) =	sbr.rel @p0 .LBB2_1-.Ltmp1, $4  }
0x74: {  	[hbm4b:s22+s3] =	stream.linear.scatter [tilespmem:s25], [sflag:$0x2], $0x4000, $0x38;
	[tilespmem:$0x1D000] =	vst v63  }
0x75: {  	_ =	swait.ge [sflag:s23], $0x4000  }
0x76: {  	[sflag:s23] =	ssyncset.done $0x0  }
0x77: {  	[sflag:s23] =	ssyncadd.s32 $0xFFFFC000  }
0x78: {  	_ =	sfence.sel $0x180000  }
0x79: {  	[bflag:$0x0] =	sbarrier.arrive $0xFFFF  }
0x7a: {  	_ =	strace $0x9000004D  }
0x7b: {  	s0 =	stileid.u32;
	[bflag:$0x2] =	sbarrier.arrive $0xFFFF  }
0x7c: {  	p0 =	sne.s32 s0, $0x0;
	s0 =	rddreg [dreg:$0x2]  }
0x7d: {  	s0 =	sadd.s32 @!p0 $0x100000, s0  }
0x7e: {  	[sflag:s0] =	ssyncadd.tile.s32 @!p0 $0x1;
	_ =	shalt  }
.Lfunc_end2:
_tile_overlayer_lowered:
.L_overlay_start_2:
0x7f: {  	(tag) =	ssettag $0x2  }
0x80: {  	s0 =	rddreg [dreg:$0x0];
	s2 =	stileid.u32  }
0x81: {  	s1 =	rddreg [dreg:$0x1];
	p0 =	sne.s32 s2, $0x0  }
0x82: {  	s3 =	rddreg [dreg:$0x2];
	[bflag:$0x3] =	sbarrier.arrive $0xFFFF;
	s2 =	simm.s32 @!p0 $0x1C02  }
0x83: {  	[timem:s3], [sflag:s2] =	dma.local @!p0 [hbm:s0], s1  }
0x84: {  	s0 =	simm.s32 @!p0 $0x2  }
0x85: {  	_ =	swait.ge @!p0 [sflag:s0], s1  }
0x86: {  	s1 =	ssub.s32 @!p0 $0x0, s1;
	[sflag:s0] =	ssyncset.done @!p0 $0x0  }
0x87: {  	[sflag:s0] =	ssyncadd.s32 @!p0 s1  }
0x88: {  	[bflag:$0x3] =	sbarrier.arrive $0xFFFF  }
0x89: {  	_ =	shalt  }

// kernel: kernel.21.cloned.1.call-start
scs
__scs_entry_jumppad:
0x0: {  	(pc) =	sbr.rel $0x88, $3  }
0x1: {  	(tag) =	ssettag $0x0;
	lr =	simm.s32 $0x1  }
0x2: {  	[smem:$0x3F97] =	sst lr;
	_ =	strace $0xD0000000  }
0x3: {  	_ = 	snop  }
0x4: {  	_ = 	snop  }
0x5: {  	_ = 	snop  }
0x6: {  	_ = 	snop  }
0x7: {  	_ = 	snop  }
__scs_overlays_trampoline_lowered:
0x8: {  	[smem:$0x3FA6] =	sst s0  }
0x9: {  	[smem:$0x3FA7] =	sst s1  }
0xa: {  	[smem:$0x3FA8] =	sst s2  }
0xb: {  	[smem:$0x3FA9] =	sst s3  }
0xc: {  	[smem:$0x3FAA] =	sst s4  }
0xd: {  	[smem:$0x3FAB] =	sst s5  }
0xe: {  	[smem:$0x3FAC] =	sst s6  }
0xf: {  	[smem:$0x3FAD] =	sst s7  }
0x10: {  	[smem:$0x3FAE] =	sst s8  }
0x11: {  	[smem:$0x3FAF] =	sst s9;
	s0 =	simm.s32 @!p0 $0x0  }
0x12: {  	s1 =	sld [smem:$0x3F95];
	s0 =	simm.s32 @p0 $0x1  }
0x13: {  	[smem:$0x3FB0] =	sst s0;
	s0 =	simm.s32 @!p1 $0x0  }
0x14: {  	s2 =	sld [smem:$0x3F94];
	s0 =	simm.s32 @p1 $0x1  }
0x15: {  	[smem:$0x3FB1] =	sst s0;
	s0 =	simm.s32 @!p2 $0x0  }
0x16: {  	s3 =	sld [smem:$0x3FDB];
	s0 =	simm.s32 @p2 $0x1  }
0x17: {  	s4 =	simm.s32 $0x1BF5;
	[smem:$0x3FB3] =	sst s0  }
0x18: {  	s0 =	sld [smem:$0x3F96];
	_ =	swait.ge [sflag:s4], $0x0  }
0x19: {  	s7 =	sld [smem:$0x3F97]  }
0x1a: {  	s8 =	sadd.s32 $0xFFFFE003, lr  }
0x1b: {  	s9 =	sadd.s32 $0xFFFFFEF7, lr;
	s5 =	simm.s32 $0xFFFFFFFF;
	p2 =	slt.u32 s8, $0xFFFFF086  }
0x1c: {  	p1 =	slt.u32 s9, $0xF7A;
	s5 =	simm.s32 @!p2 $0x0  }
0x1d: {  	s5 =	simm.s32 @p1 $0x1;
	p0 =	seq.s32 s7, s2  }
0x1e: {  	s7 =	smul.u32 @!p0 $0xF7A, s2;
	p2 =	seq.s32 @!p0 s5, $0x0  }
0x1f: {  	s9 =	smul.u32 $0xF7A, s1;
	s8 =	simm.s32 @!p0 $0x1BF5;
	p2 =	por !p2, p0  }
0x20: {  	[sflag:s8] =	ssyncset.s32 @!p0 $0xFFFFF086;
	s6 =	sadd.s32 @!p0 s3, s7;
	s7 =	simm.s32 @!p0 $0x108  }
0x21: {  	s3 =	sadd.s32 s3, s9;
	s6 =	sadd.s32 @!p0 $0x88, s6;
	s7 =	simm.s32 @p2 $0x1082  }
0x22: {  	[simem:s7], [sflag:s8] =	dma.local @!p0 [hbm:s6], $0xF7A  }
0x23: {  	s9 =	sor.u32 $0xD0000000, s2;
	s6 =	simm.s32 $0x108;
	_ =	swait.ge @!p0 [sflag:s8], $0x0  }
0x24: {  	s3 =	sadd.s32 $0x88, s3;
	s6 =	simm.s32 @!p1 $0x1082;
	[sflag:s4] =	ssyncset.s32 $0xFFFFF086  }
0x25: {  	[simem:s6], [sflag:s4] =	dma.local [hbm:s3], $0xF7A  }
0x26: {  	[smem:$0x3F97] =	sst s1;
	(tag) =	ssettag s2;
	_ =	strace s9  }
0x27: {  	s1 =	sld [smem:$0x3FA7]  }
0x28: {  	s2 =	sld [smem:$0x3FA8]  }
0x29: {  	s4 =	sld [smem:$0x3FAA]  }
0x2a: {  	p0 =	seq.s32 s5, $0x0;
	s5 =	sld [smem:$0x3FAB]  }
0x2b: {  	s6 =	sld [smem:$0x3FAC]  }
0x2c: {  	s7 =	sld [smem:$0x3FAD]  }
0x2d: {  	s3 =	simm.s32 $0x108;
	s8 =	sld [smem:$0x3FAE]  }
0x2e: {  	s3 =	simm.s32 @!p0 $0x1082;
	s9 =	sld [smem:$0x3FAF]  }
0x2f: {  	lr =	sadd.s32 s0, s3;
	s0 =	sld [smem:$0x3FA6]  }
0x30: {  	s3 =	sld [smem:$0x3FA9]  }
0x31: {  	[smem:$0x3FB2] =	sst s10  }
0x32: {  	s10 =	sld [smem:$0x3FB0];
	_ =	sdelay $0x3  }
0x33: {  	p0 =	seq.s32 s10, $0x1;
	s10 =	sld [smem:$0x3FB2];
	_ =	sdelay $0x3  }
0x34: {  	[smem:$0x3FB2] =	sst s10  }
0x35: {  	s10 =	sld [smem:$0x3FB1];
	_ =	sdelay $0x3  }
0x36: {  	p1 =	seq.s32 s10, $0x1;
	s10 =	sld [smem:$0x3FB2];
	_ =	sdelay $0x3  }
0x37: {  	[smem:$0x3FB2] =	sst s10  }
0x38: {  	s10 =	sld [smem:$0x3FB3]  }
0x39: {  	_ = 	snop;
	(pc) =	sbr.ind lr, $3  }
0x3a: {  	_ = 	snop  }
0x3b: {  	_ = 	snop  }
0x3c: {  	p2 =	seq.s32 s10, $0x1;
	s10 =	sld [smem:$0x3FB2]  }
0x3d: {  	_ =	shalt  }
0x3e: {  	_ =	shalt  }
0x3f: {  	_ =	shalt  }
0x40: {  	_ =	shalt  }
0x41: {  	_ =	shalt  }
0x42: {  	_ =	shalt  }
0x43: {  	_ =	shalt  }
0x44: {  	_ =	shalt  }
0x45: {  	_ =	shalt  }
0x46: {  	_ =	shalt  }
0x47: {  	_ =	shalt  }
0x48: {  	_ =	shalt  }
0x49: {  	_ =	shalt  }
0x4a: {  	_ =	shalt  }
0x4b: {  	_ =	shalt  }
0x4c: {  	_ =	shalt  }
0x4d: {  	_ =	shalt  }
0x4e: {  	_ =	shalt  }
0x4f: {  	_ =	shalt  }
0x50: {  	_ =	shalt  }
0x51: {  	_ =	shalt  }
0x52: {  	_ =	shalt  }
0x53: {  	_ =	shalt  }
0x54: {  	_ =	shalt  }
0x55: {  	_ =	shalt  }
0x56: {  	_ =	shalt  }
0x57: {  	_ =	shalt  }
0x58: {  	_ =	shalt  }
0x59: {  	_ =	shalt  }
0x5a: {  	_ =	shalt  }
0x5b: {  	_ =	shalt  }
0x5c: {  	_ =	shalt  }
0x5d: {  	_ =	shalt  }
0x5e: {  	_ =	shalt  }
0x5f: {  	_ =	shalt  }
0x60: {  	_ =	shalt  }
0x61: {  	_ =	shalt  }
0x62: {  	_ =	shalt  }
0x63: {  	_ =	shalt  }
0x64: {  	_ =	shalt  }
0x65: {  	_ =	shalt  }
0x66: {  	_ =	shalt  }
0x67: {  	_ =	shalt  }
0x68: {  	_ =	shalt  }
0x69: {  	_ =	shalt  }
0x6a: {  	_ =	shalt  }
0x6b: {  	_ =	shalt  }
0x6c: {  	_ =	shalt  }
0x6d: {  	_ =	shalt  }
0x6e: {  	_ =	shalt  }
0x6f: {  	_ =	shalt  }
0x70: {  	_ =	shalt  }
0x71: {  	_ =	shalt  }
0x72: {  	_ =	shalt  }
0x73: {  	_ =	shalt  }
0x74: {  	_ =	shalt  }
0x75: {  	_ =	shalt  }
0x76: {  	_ =	shalt  }
0x77: {  	_ =	shalt  }
0x78: {  	_ =	shalt  }
0x79: {  	_ =	shalt  }
0x7a: {  	_ =	shalt  }
0x7b: {  	_ =	shalt  }
0x7c: {  	_ =	shalt  }
0x7d: {  	_ =	shalt  }
0x7e: {  	_ =	shalt  }
0x7f: {  	_ =	shalt  }
0x80: {  	_ =	shalt  }
0x81: {  	_ =	shalt  }
0x82: {  	_ =	shalt  }
0x83: {  	_ =	shalt  }
0x84: {  	_ =	shalt  }
0x85: {  	_ =	shalt  }
0x86: {  	_ =	shalt  }
0x87: {  	_ =	shalt  }
.Lfunc_end0:
.L_simem_size_0:
called_computation.3_lowered:
.L_overlay_start_0:
0x88: {  	s2 =	sld [smem:$0x3FD9]  }
0x89: {  	s3 =	sld [smem:$0x3FFE];
	_ =	sdelay $0x1  }
0x8a: {  	s1 =	srdreg.scid  }
0x8b: {  	s0 =	sand.u32 $0x1, s1  }
0x8c: {  	s16 =	sshll.u32 s0, $0xA;
	s2 =	sadd.s32 s3, s2  }
0x8d: {  	s2 =	sadd.s32 s2, s16  }
0x8e: {  	[smem:$0x3FBE] =	sst s2  }
0x8f: {  	_ = 	snop  }
0x90: {  	(tm) =	ssettm $0x1  }
0x91: {  	s17 =	sld [smem:$0x3FFB];
	_ =	sdelay $0x3  }
0x92: {  	_ =	strace s17  }
0x93: {  	s2 =	sld [smem:$0x3FFC];
	_ =	sdelay $0x3  }
0x94: {  	_ =	strace s2  }
0x95: {  	s2 =	sld [smem:$0x3FFD];
	_ =	sdelay $0x3  }
0x96: {  	_ =	strace s2  }
0x97: {  	_ =	strace $0x8FFFFFFF  }
0x98: {  	s18 =	sld [smem:$0x3FDB];
	_ =	sdelay $0x1  }
0x99: {  	s19 =	simm.s32 $_scs_section_size  }
0x9a: {  	s4 =	simm.s32 $_size__tile_overlayer_lowered;
	s5 =	simm.s32 $_tile_overlayer_lowered  }
0x9b: {  	s22 =	simm.s32 $0x1BFF;
	s21 =	sshll.u32 s5, $0x1;
	s2 =	sadd.s32 s19, s18  }
0x9c: {  	s6 =	simm.s32 $0x0;
	s20 =	sshll.u32 s4, $0x1;
	s4 =	sadd.s32 s21, s2  }
0x9d: {  	[timem:s6], [sflag:s22] =	dma.local [hbm:s4], s20  }
0x9e: {  	_ =	swait.ge [sflag:s22], s20  }
0x9f: {  	s3 =	ssub.s32 $0x0, s20;
	[sflag:s22] =	ssyncset.done $0x0  }
0xa0: {  	[sflag:s22] =	ssyncadd.s32 s3;
	_ =	sdelay $0x1  }
0xa1: {  	s23 =	simm.s32 $0x1B8B  }
0xa2: {  	_ =	swait.ge [sflag:s23], $0x1  }
0xa3: {  	[sflag:s23] =	ssyncset.done $0x0  }
0xa4: {  	s25 =	simm.s32 $0x1B8E;
	s24 =	sld [smem:$0x3FFE];
	[sflag:s23] =	ssyncadd.s32 $0xFFFFFFFF  }
0xa5: {  	s26 =	simm.s32 $execute0_lowered;
	[smem:$0x3FD2] =	sst s25  }
0xa6: {  	s4 =	sshll.u32 s26, $0x1;
	_ =	strace $0x8000004F;
	[dreg:$0x1] =	wrdreg $0xFFFFFFFF  }
0xa7: {  	s28 =	simm.s32 $_size_execute0_lowered;
	s2 =	sadd.s32 s2, s4;
	[dreg:$0x0] =	wrdreg $0x0  }
0xa8: {  	s4 =	sshll.u32 s28, $0x1;
	[dreg:$0x2] =	wrdreg s2  }
0xa9: {  	[dreg:$0x3] =	wrdreg s4  }
0xaa: {  	[dreg:$0x4] =	wrdreg $0xC0  }
0xab: {  	_ =	task [dreg:s6], $0x5FFFF  }
0xac: {  	[dreg:$0x1] =	wrdreg $0xFFFFFFFF  }
0xad: {  	[dreg:$0x0] =	wrdreg $0x60  }
0xae: {  	[dreg:$0x2] =	wrdreg s24  }
0xaf: {  	[dreg:$0x3] =	wrdreg $0x90000  }
0xb0: {  	[dreg:$0x4] =	wrdreg $0x9  }
0xb1: {  	_ =	task.clear_ibuf [dreg:s6], $0x5FFFF;
	_ =	strace $0x9000004F  }
0xb2: {  	s29 =	simm.s32 $0x9;
	_ =	strace $0x80000051  }
0xb3: {  	_ =	swait.ge [sflag:s29], $0x1  }
0xb4: {  	[sflag:s29] =	ssyncadd.s32 $0xFFFFFFFF  }
0xb5: {  	_ =	strace $0x90000051  }
0xb6: {  	_ =	sfence  }
0xb7: {  	s30 =	sld [smem:$0x0];
	_ =	sdelay $0x2  }
0xb8: {  	s31 =	sshll.u32 s1, $0xD;
	s1 =	sshrl.u32 s1, $0x2  }
0xb9: {  	s3 =	sand.u32 $0x4000, s31;
	s1 =	sadd.s32 s1, s30  }
0xba: {  	s0 =	sor.u32 s3, s0;
	s1 =	sshll.u32 s1, $0x11  }
0xbb: {  	s0 =	sor.u32 s1, s0  }
0xbc: {  	s0 =	sadd.s32 $0x8F2B, s0  }
0xbd: {  	[sflag:s0] =	ssyncadd.remote.s32 $0x1  }
0xbe: {  	_ =	sfence.sel $0xFFFF  }
0xbf: {  	[dreg:$0x0] =	wrdreg $0xFFFFFFFF;
	(pc) =	sbr.abs _section_cstart, $3  }
0xc0: {  	[dreg:$0x1] =	wrdreg $0xFFFFFFFF  }
0xc1: {  	_ =	task.clear_ibuf [dreg:s6], $0x2FFFF;
	_ =	strace $0x9FFFFFFF  }
0xc2: {  	(tm) =	ssettm $0x7FFFFFFF  }
0xc3: {  	_ =	shalt  }
tec
execute0_lowered:
.L_overlay_start_1:
0x0: {  	(tag) =	ssettag $0x1  }
0x1: {  	s6 =	rddreg [dreg:$0x0]  }
0x2: {  	s2 =	rddreg [dreg:$0x1];
	s3 =	simm.s32 $0x0;
	s4 =	srdreg.scid  }
0x3: {  	s0 =	stileid.u32;
	s25 =	simm.s32 $0x5000;
	s28 =	simm.s32 $0x1  }
0x4: {  	s29 =	simm.s32 $0x0;
	[smem:$0x7FF] =	sst s3;
	s7 =	sand.u32 $0x1, s4  }
0x5: {  	s26 =	sshll.u32 s0, $0x1;
	s4 =	sadd.s32 $0x14800, s6;
	s11 =	smul.u32 $0x50000, s0  }
0x6: {  	s22 =	sadd.s32 $0x3C800, s6;
	s18 =	smul.u32 $0x14000, s0;
	_ =	strace $0x80000050  }
0x7: {  	s5 =	sor.u32 s7, s26;
	s8 =	ssub.s32 $0x2, s7;
	s19 =	smul.u32 $0x140000, s7  }
0x8: {  	s26 =	simm.s32 $0x80;
	s9 =	smul.u32 $0x500, s5;
	s5 =	sadd.s32 $0x14000, s6  }
0x9: {  	s10 =	sshrl.u32 s8, $0x1;
	s30 =	sshrl.u32 s11, $0x2;
	s15 =	sadd.s32 $0x4000, s18  }
0xa: {  	s20 =	sadd.s32 $0x8000, s18;
	s21 =	sadd.s32 $0xC000, s18;
	s23 =	sadd.s32 $0x10000, s18  }
0xb: {  	s10 =	ssub.s32 s8, s10;
	s8 =	sadd.s32 s30, s2;
	s13 =	sadd.s32 s19, s18  }
0xc: {  	s16 =	sadd.s32 s19, s15;
	s15 =	sadd.s32 s15, s2;
	s17 =	sadd.s32 s20, s2  }
0xd: {  	s20 =	sadd.s32 s19, s20;
	s31 =	sadd.s32 s19, s21;
	s24 =	sadd.s32 s19, s23  }
0xe: {  	s19 =	sadd.s32 s21, s2;
	s21 =	sadd.s32 s23, s2;
	s23 =	simm.s32 $0x2  }
0xf: {  	s6 =	sadd.s32 s6, s9;
	s9 =	smax.u32 s10, $0x1;
	s10 =	sadd.s32 $0x4000, s8  }
0x10: {  	s11 =	sadd.s32 $0x8000, s8;
	s12 =	sadd.s32 $0xC000, s8;
	s14 =	sshrl.u32 s13, $0x3  }
0x11: {  	s13 =	sadd.s32 $0x10000, s8;
	s16 =	sshrl.u32 s16, $0x3;
	s20 =	sshrl.u32 s20, $0x3  }
0x12: {  	s24 =	sshrl.u32 s24, $0x3;
	s7 =	sadd.s32 $0xA000, s6;
	s14 =	sadd.s32 s22, s14  }
0x13: {  	s16 =	sadd.s32 s22, s16;
	s18 =	sadd.s32 s22, s20;
	s20 =	sshrl.u32 s31, $0x3  }
0x14: {  	s20 =	sadd.s32 s22, s20;
	s22 =	sadd.s32 s22, s24;
	s24 =	simm.s32 $0x2800  }
.LBB2_1:
0x15: {  	[tilespmem:s3], [sflag:$0x2] =	stream.linear.gather [hbm4b:s7+s3], $0x2800, $0x38;
	[tilespmem:$0x1D000] =	vst v63  }
0x16: {  	_ =	swait.ge [sflag:s23], $0x2800  }
0x17: {  	[sflag:s23] =	ssyncset.done $0x0  }
0x18: {  	[sflag:s23] =	ssyncadd.s32 $0xFFFFD800  }
0x19: {  	[tilespmem:s24], [sflag:$0x2] =	stream.linear.gather [hbm4b:s6+s3], $0x2800, $0x38;
	[tilespmem:$0x1D000] =	vst v63  }
0x1a: {  	_ =	swait.ge [sflag:s23], $0x2800  }
0x1b: {  	[sflag:s23] =	ssyncset.done $0x0  }
0x1c: {  	[sflag:s23] =	ssyncadd.s32 $0xFFFFD800  }
0x1d: {  	[tilespmem:s25], [sflag:$0x2] =	stream.linear.gather [hbm4b:s5+s3], $0x4000, $0x38;
	[tilespmem:$0x1D000] =	vst v63  }
0x1e: {  	_ =	swait.ge [sflag:s23], $0x4000  }
0x1f: {  	[sflag:s23] =	ssyncset.done $0x0  }
0x20: {  	[sflag:s23] =	ssyncadd.s32 $0xFFFFC000  }
0x21: {  	[spmem:s8] =	stream.linear.scatter [tilespmem:s25], [sflag:$0x2], $0x4000, $0x38;
	[tilespmem:$0x1D000] =	vst v63  }
0x22: {  	_ =	swait.ge [sflag:s23], $0x4000  }
0x23: {  	[sflag:s23] =	ssyncset.done $0x0  }
0x24: {  	[sflag:s23] =	ssyncadd.s32 $0xFFFFC000  }
0x25: {  	[spmem:s10] =	stream.linear.scatter [tilespmem:s25], [sflag:$0x2], $0x4000, $0x38;
	[tilespmem:$0x1D000] =	vst v63  }
0x26: {  	_ =	swait.ge [sflag:s23], $0x4000  }
0x27: {  	[sflag:s23] =	ssyncset.done $0x0  }
0x28: {  	[sflag:s23] =	ssyncadd.s32 $0xFFFFC000  }
0x29: {  	[spmem:s11] =	stream.linear.scatter [tilespmem:s25], [sflag:$0x2], $0x4000, $0x38;
	[tilespmem:$0x1D000] =	vst v63  }
0x2a: {  	_ =	swait.ge [sflag:s23], $0x4000  }
0x2b: {  	[sflag:s23] =	ssyncset.done $0x0  }
0x2c: {  	[sflag:s23] =	ssyncadd.s32 $0xFFFFC000  }
0x2d: {  	[spmem:s12] =	stream.linear.scatter [tilespmem:s25], [sflag:$0x2], $0x4000, $0x38;
	[tilespmem:$0x1D000] =	vst v63  }
0x2e: {  	_ =	swait.ge [sflag:s23], $0x4000  }
0x2f: {  	[sflag:s23] =	ssyncset.done $0x0  }
0x30: {  	[sflag:s23] =	ssyncadd.s32 $0xFFFFC000  }
0x31: {  	[spmem:s13] =	stream.linear.scatter [tilespmem:s25], [sflag:$0x2], $0x4000, $0x38;
	[tilespmem:$0x1D000] =	vst v63  }
0x32: {  	_ =	swait.ge [sflag:s23], $0x4000  }
0x33: {  	[sflag:s23] =	ssyncset.done $0x0  }
0x34: {  	[sflag:s23] =	ssyncadd.s32 $0xFFFFC000  }
0x35: {  	s30 =	simm.s32 $0x0;
	[bflag:$0x0] =	sbarrier.arrive $0xFFFF  }
0x36: {  	[tilespmem:s25], [sflag:$0x1] =	stream.indirect.gather [hbm4b:s4+s26], $0x80, s30, s26, $0xb8;
	[tilespmem:$0x1D000] =	vst v63  }
0x37: {  	_ =	swait.ge [sflag:s28], $0x4000  }
0x38: {  	[sflag:s28] =	ssyncset.done $0x0  }
0x39: {  	s30 =	simm.s32 $0x2800;
	[sflag:s28] =	ssyncadd.s32 $0xFFFFC000  }
0x3a: {  	[spmem:s2] =	stream.indirect.scatter.add.f32 [tilespmem:s25], [sflag:$0x2], $0x80, s30, s26, $0xb8;
	[tilespmem:$0x1D000] =	vst v63  }
0x3b: {  	_ =	swait.ge [sflag:s23], $0x4000  }
0x3c: {  	s31 =	simm.s32 $0x400;
	s30 =	simm.s32 $0x200;
	[sflag:s23] =	ssyncset.done $0x0  }
.LBB2_2:
0x3d: {  	s0 =	sshra.s32 s30, $0x2  }
0x3e: {  	[sflag:s23] =	ssyncadd.s32 $0xFFFFC000;
	s30 =	smov.u32 s31;
	s1 =	sadd.s32 $0x200, s31  }
0x3f: {  	[tilespmem:s25], [sflag:$0x1] =	stream.indirect.gather [hbm4b:s4+s26], $0x80, s0, s26, $0xb8;
	[tilespmem:$0x1D000] =	vst v63  }
0x40: {  	p0 =	sne.s32 s31, $0x9E00;
	_ =	swait.ge [sflag:s28], $0x4000  }
.Ltmp0:
0x41: {  	[sflag:s28] =	ssyncset.done $0x0;
	(pc) =	sbr.rel @p0 .LBB2_2-.Ltmp0, $4  }
0x42: {  	s0 =	sadd.s32 $0x2800, s0;
	[sflag:s28] =	ssyncadd.s32 $0xFFFFC000  }
0x43: {  	[spmem:s2] =	stream.indirect.scatter.add.f32 [tilespmem:s25], [sflag:$0x2], $0x80, s0, s26, $0xb8;
	[tilespmem:$0x1D000] =	vst v63  }
0x44: {  	_ =	swait.ge [sflag:s23], $0x4000  }
0x45: {  	s31 =	smov.u32 s1;
	[sflag:s23] =	ssyncset.done $0x0  }
0x46: {  	s0 =	sshra.s32 s30, $0x2;
	[sflag:s23] =	ssyncadd.s32 $0xFFFFC000  }
0x47: {  	[tilespmem:s25], [sflag:$0x1] =	stream.indirect.gather [hbm4b:s4+s26], $0x80, s0, s26, $0xb8;
	[tilespmem:$0x1D000] =	vst v63  }
0x48: {  	_ =	swait.ge [sflag:s28], $0x4000  }
0x49: {  	[sflag:s28] =	ssyncset.done $0x0  }
0x4a: {  	s0 =	sadd.s32 $0x2800, s0;
	[sflag:s28] =	ssyncadd.s32 $0xFFFFC000  }
0x4b: {  	[spmem:s2] =	stream.indirect.scatter.add.f32 [tilespmem:s25], [sflag:$0x2], $0x80, s0, s26, $0xb8;
	[tilespmem:$0x1D000] =	vst v63  }
0x4c: {  	_ =	swait.ge [sflag:s23], $0x4000  }
0x4d: {  	[sflag:s23] =	ssyncset.done $0x0  }
0x4e: {  	[sflag:s23] =	ssyncadd.s32 $0xFFFFC000  }
0x4f: {  	[bflag:$0x0] =	sbarrier.arrive $0xFFFF  }
0x50: {  	[tilespmem:s25], [sflag:$0x2] =	stream.linear.gather [spmem:s8], $0x4000, $0x38;
	[tilespmem:$0x1D000] =	vst v63  }
0x51: {  	_ =	swait.ge [sflag:s23], $0x4000  }
0x52: {  	[sflag:s23] =	ssyncset.done $0x0  }
0x53: {  	[sflag:s23] =	ssyncadd.s32 $0xFFFFC000  }
0x54: {  	[hbm4b:s14+s3] =	stream.linear.scatter [tilespmem:s25], [sflag:$0x2], $0x4000, $0x38;
	[tilespmem:$0x1D000] =	vst v63  }
0x55: {  	_ =	swait.ge [sflag:s23], $0x4000  }
0x56: {  	[sflag:s23] =	ssyncset.done $0x0  }
0x57: {  	[sflag:s23] =	ssyncadd.s32 $0xFFFFC000  }
0x58: {  	[tilespmem:s25], [sflag:$0x2] =	stream.linear.gather [spmem:s15], $0x4000, $0x38;
	[tilespmem:$0x1D000] =	vst v63  }
0x59: {  	_ =	swait.ge [sflag:s23], $0x4000  }
0x5a: {  	[sflag:s23] =	ssyncset.done $0x0  }
0x5b: {  	[sflag:s23] =	ssyncadd.s32 $0xFFFFC000  }
0x5c: {  	[hbm4b:s16+s3] =	stream.linear.scatter [tilespmem:s25], [sflag:$0x2], $0x4000, $0x38;
	[tilespmem:$0x1D000] =	vst v63  }
0x5d: {  	_ =	swait.ge [sflag:s23], $0x4000  }
0x5e: {  	[sflag:s23] =	ssyncset.done $0x0  }
0x5f: {  	[sflag:s23] =	ssyncadd.s32 $0xFFFFC000  }
0x60: {  	[tilespmem:s25], [sflag:$0x2] =	stream.linear.gather [spmem:s17], $0x4000, $0x38;
	[tilespmem:$0x1D000] =	vst v63  }
0x61: {  	_ =	swait.ge [sflag:s23], $0x4000  }
0x62: {  	[sflag:s23] =	ssyncset.done $0x0  }
0x63: {  	[sflag:s23] =	ssyncadd.s32 $0xFFFFC000  }
0x64: {  	[hbm4b:s18+s3] =	stream.linear.scatter [tilespmem:s25], [sflag:$0x2], $0x4000, $0x38;
	[tilespmem:$0x1D000] =	vst v63  }
0x65: {  	_ =	swait.ge [sflag:s23], $0x4000  }
0x66: {  	[sflag:s23] =	ssyncset.done $0x0  }
0x67: {  	[sflag:s23] =	ssyncadd.s32 $0xFFFFC000  }
0x68: {  	[tilespmem:s25], [sflag:$0x2] =	stream.linear.gather [spmem:s19], $0x4000, $0x38;
	[tilespmem:$0x1D000] =	vst v63  }
0x69: {  	_ =	swait.ge [sflag:s23], $0x4000  }
0x6a: {  	[sflag:s23] =	ssyncset.done $0x0  }
0x6b: {  	[sflag:s23] =	ssyncadd.s32 $0xFFFFC000  }
0x6c: {  	[hbm4b:s20+s3] =	stream.linear.scatter [tilespmem:s25], [sflag:$0x2], $0x4000, $0x38;
	[tilespmem:$0x1D000] =	vst v63  }
0x6d: {  	_ =	swait.ge [sflag:s23], $0x4000  }
0x6e: {  	[sflag:s23] =	ssyncset.done $0x0  }
0x6f: {  	[sflag:s23] =	ssyncadd.s32 $0xFFFFC000  }
0x70: {  	[tilespmem:s25], [sflag:$0x2] =	stream.linear.gather [spmem:s21], $0x4000, $0x38;
	[tilespmem:$0x1D000] =	vst v63  }
0x71: {  	s29 =	sadd.s32 $0x1, s29;
	_ =	swait.ge [sflag:s23], $0x4000  }
0x72: {  	p0 =	sne.s32 s29, s9;
	[sflag:s23] =	ssyncset.done $0x0  }
.Ltmp1:
0x73: {  	[sflag:s23] =	ssyncadd.s32 $0xFFFFC000;
	(pc) =	sbr.rel @p0 .LBB2_1-.Ltmp1, $4  }
0x74: {  	[hbm4b:s22+s3] =	stream.linear.scatter [tilespmem:s25], [sflag:$0x2], $0x4000, $0x38;
	[tilespmem:$0x1D000] =	vst v63  }
0x75: {  	_ =	swait.ge [sflag:s23], $0x4000  }
0x76: {  	[sflag:s23] =	ssyncset.done $0x0  }
0x77: {  	[sflag:s23] =	ssyncadd.s32 $0xFFFFC000  }
0x78: {  	_ =	sfence.sel $0x180000  }
0x79: {  	[bflag:$0x0] =	sbarrier.arrive $0xFFFF  }
0x7a: {  	_ =	strace $0x90000050  }
0x7b: {  	s0 =	stileid.u32;
	[bflag:$0x2] =	sbarrier.arrive $0xFFFF  }
0x7c: {  	p0 =	sne.s32 s0, $0x0;
	s0 =	rddreg [dreg:$0x2]  }
0x7d: {  	s0 =	sadd.s32 @!p0 $0x100000, s0  }
0x7e: {  	[sflag:s0] =	ssyncadd.tile.s32 @!p0 $0x1;
	_ =	shalt  }
.Lfunc_end2:
_tile_overlayer_lowered:
.L_overlay_start_2:
0x7f: {  	(tag) =	ssettag $0x2  }
0x80: {  	s0 =	rddreg [dreg:$0x0];
	s2 =	stileid.u32  }
0x81: {  	s1 =	rddreg [dreg:$0x1];
	p0 =	sne.s32 s2, $0x0  }
0x82: {  	s3 =	rddreg [dreg:$0x2];
	[bflag:$0x3] =	sbarrier.arrive $0xFFFF;
	s2 =	simm.s32 @!p0 $0x1C02  }
0x83: {  	[timem:s3], [sflag:s2] =	dma.local @!p0 [hbm:s0], s1  }
0x84: {  	s0 =	simm.s32 @!p0 $0x2  }
0x85: {  	_ =	swait.ge @!p0 [sflag:s0], s1  }
0x86: {  	s1 =	ssub.s32 @!p0 $0x0, s1;
	[sflag:s0] =	ssyncset.done @!p0 $0x0  }
0x87: {  	[sflag:s0] =	ssyncadd.s32 @!p0 s1  }
0x88: {  	[bflag:$0x3] =	sbarrier.arrive $0xFFFF  }
0x89: {  	_ =	shalt  }

// kernel: kernel.24.cloned.1.call-start
scs
__scs_entry_jumppad:
0x0: {  	(pc) =	sbr.rel $0x88, $3  }
0x1: {  	(tag) =	ssettag $0x0;
	lr =	simm.s32 $0x1  }
0x2: {  	[smem:$0x3F97] =	sst lr;
	_ =	strace $0xD0000000  }
0x3: {  	_ = 	snop  }
0x4: {  	_ = 	snop  }
0x5: {  	_ = 	snop  }
0x6: {  	_ = 	snop  }
0x7: {  	_ = 	snop  }
__scs_overlays_trampoline_lowered:
0x8: {  	[smem:$0x3FA6] =	sst s0  }
0x9: {  	[smem:$0x3FA7] =	sst s1  }
0xa: {  	[smem:$0x3FA8] =	sst s2  }
0xb: {  	[smem:$0x3FA9] =	sst s3  }
0xc: {  	[smem:$0x3FAA] =	sst s4  }
0xd: {  	[smem:$0x3FAB] =	sst s5  }
0xe: {  	[smem:$0x3FAC] =	sst s6  }
0xf: {  	[smem:$0x3FAD] =	sst s7  }
0x10: {  	[smem:$0x3FAE] =	sst s8  }
0x11: {  	[smem:$0x3FAF] =	sst s9;
	s0 =	simm.s32 @!p0 $0x0  }
0x12: {  	s1 =	sld [smem:$0x3F95];
	s0 =	simm.s32 @p0 $0x1  }
0x13: {  	[smem:$0x3FB0] =	sst s0;
	s0 =	simm.s32 @!p1 $0x0  }
0x14: {  	s2 =	sld [smem:$0x3F94];
	s0 =	simm.s32 @p1 $0x1  }
0x15: {  	[smem:$0x3FB1] =	sst s0;
	s0 =	simm.s32 @!p2 $0x0  }
0x16: {  	s3 =	sld [smem:$0x3FDB];
	s0 =	simm.s32 @p2 $0x1  }
0x17: {  	s4 =	simm.s32 $0x1BF5;
	[smem:$0x3FB3] =	sst s0  }
0x18: {  	s0 =	sld [smem:$0x3F96];
	_ =	swait.ge [sflag:s4], $0x0  }
0x19: {  	s7 =	sld [smem:$0x3F97]  }
0x1a: {  	s8 =	sadd.s32 $0xFFFFE003, lr  }
0x1b: {  	s9 =	sadd.s32 $0xFFFFFEF7, lr;
	s5 =	simm.s32 $0xFFFFFFFF;
	p2 =	slt.u32 s8, $0xFFFFF086  }
0x1c: {  	p1 =	slt.u32 s9, $0xF7A;
	s5 =	simm.s32 @!p2 $0x0  }
0x1d: {  	s5 =	simm.s32 @p1 $0x1;
	p0 =	seq.s32 s7, s2  }
0x1e: {  	s7 =	smul.u32 @!p0 $0xF7A, s2;
	p2 =	seq.s32 @!p0 s5, $0x0  }
0x1f: {  	s9 =	smul.u32 $0xF7A, s1;
	s8 =	simm.s32 @!p0 $0x1BF5;
	p2 =	por !p2, p0  }
0x20: {  	[sflag:s8] =	ssyncset.s32 @!p0 $0xFFFFF086;
	s6 =	sadd.s32 @!p0 s3, s7;
	s7 =	simm.s32 @!p0 $0x108  }
0x21: {  	s3 =	sadd.s32 s3, s9;
	s6 =	sadd.s32 @!p0 $0x88, s6;
	s7 =	simm.s32 @p2 $0x1082  }
0x22: {  	[simem:s7], [sflag:s8] =	dma.local @!p0 [hbm:s6], $0xF7A  }
0x23: {  	s9 =	sor.u32 $0xD0000000, s2;
	s6 =	simm.s32 $0x108;
	_ =	swait.ge @!p0 [sflag:s8], $0x0  }
0x24: {  	s3 =	sadd.s32 $0x88, s3;
	s6 =	simm.s32 @!p1 $0x1082;
	[sflag:s4] =	ssyncset.s32 $0xFFFFF086  }
0x25: {  	[simem:s6], [sflag:s4] =	dma.local [hbm:s3], $0xF7A  }
0x26: {  	[smem:$0x3F97] =	sst s1;
	(tag) =	ssettag s2;
	_ =	strace s9  }
0x27: {  	s1 =	sld [smem:$0x3FA7]  }
0x28: {  	s2 =	sld [smem:$0x3FA8]  }
0x29: {  	s4 =	sld [smem:$0x3FAA]  }
0x2a: {  	p0 =	seq.s32 s5, $0x0;
	s5 =	sld [smem:$0x3FAB]  }
0x2b: {  	s6 =	sld [smem:$0x3FAC]  }
0x2c: {  	s7 =	sld [smem:$0x3FAD]  }
0x2d: {  	s3 =	simm.s32 $0x108;
	s8 =	sld [smem:$0x3FAE]  }
0x2e: {  	s3 =	simm.s32 @!p0 $0x1082;
	s9 =	sld [smem:$0x3FAF]  }
0x2f: {  	lr =	sadd.s32 s0, s3;
	s0 =	sld [smem:$0x3FA6]  }
0x30: {  	s3 =	sld [smem:$0x3FA9]  }
0x31: {  	[smem:$0x3FB2] =	sst s10  }
0x32: {  	s10 =	sld [smem:$0x3FB0];
	_ =	sdelay $0x3  }
0x33: {  	p0 =	seq.s32 s10, $0x1;
	s10 =	sld [smem:$0x3FB2];
	_ =	sdelay $0x3  }
0x34: {  	[smem:$0x3FB2] =	sst s10  }
0x35: {  	s10 =	sld [smem:$0x3FB1];
	_ =	sdelay $0x3  }
0x36: {  	p1 =	seq.s32 s10, $0x1;
	s10 =	sld [smem:$0x3FB2];
	_ =	sdelay $0x3  }
0x37: {  	[smem:$0x3FB2] =	sst s10  }
0x38: {  	s10 =	sld [smem:$0x3FB3]  }
0x39: {  	_ = 	snop;
	(pc) =	sbr.ind lr, $3  }
0x3a: {  	_ = 	snop  }
0x3b: {  	_ = 	snop  }
0x3c: {  	p2 =	seq.s32 s10, $0x1;
	s10 =	sld [smem:$0x3FB2]  }
0x3d: {  	_ =	shalt  }
0x3e: {  	_ =	shalt  }
0x3f: {  	_ =	shalt  }
0x40: {  	_ =	shalt  }
0x41: {  	_ =	shalt  }
0x42: {  	_ =	shalt  }
0x43: {  	_ =	shalt  }
0x44: {  	_ =	shalt  }
0x45: {  	_ =	shalt  }
0x46: {  	_ =	shalt  }
0x47: {  	_ =	shalt  }
0x48: {  	_ =	shalt  }
0x49: {  	_ =	shalt  }
0x4a: {  	_ =	shalt  }
0x4b: {  	_ =	shalt  }
0x4c: {  	_ =	shalt  }
0x4d: {  	_ =	shalt  }
0x4e: {  	_ =	shalt  }
0x4f: {  	_ =	shalt  }
0x50: {  	_ =	shalt  }
0x51: {  	_ =	shalt  }
0x52: {  	_ =	shalt  }
0x53: {  	_ =	shalt  }
0x54: {  	_ =	shalt  }
0x55: {  	_ =	shalt  }
0x56: {  	_ =	shalt  }
0x57: {  	_ =	shalt  }
0x58: {  	_ =	shalt  }
0x59: {  	_ =	shalt  }
0x5a: {  	_ =	shalt  }
0x5b: {  	_ =	shalt  }
0x5c: {  	_ =	shalt  }
0x5d: {  	_ =	shalt  }
0x5e: {  	_ =	shalt  }
0x5f: {  	_ =	shalt  }
0x60: {  	_ =	shalt  }
0x61: {  	_ =	shalt  }
0x62: {  	_ =	shalt  }
0x63: {  	_ =	shalt  }
0x64: {  	_ =	shalt  }
0x65: {  	_ =	shalt  }
0x66: {  	_ =	shalt  }
0x67: {  	_ =	shalt  }
0x68: {  	_ =	shalt  }
0x69: {  	_ =	shalt  }
0x6a: {  	_ =	shalt  }
0x6b: {  	_ =	shalt  }
0x6c: {  	_ =	shalt  }
0x6d: {  	_ =	shalt  }
0x6e: {  	_ =	shalt  }
0x6f: {  	_ =	shalt  }
0x70: {  	_ =	shalt  }
0x71: {  	_ =	shalt  }
0x72: {  	_ =	shalt  }
0x73: {  	_ =	shalt  }
0x74: {  	_ =	shalt  }
0x75: {  	_ =	shalt  }
0x76: {  	_ =	shalt  }
0x77: {  	_ =	shalt  }
0x78: {  	_ =	shalt  }
0x79: {  	_ =	shalt  }
0x7a: {  	_ =	shalt  }
0x7b: {  	_ =	shalt  }
0x7c: {  	_ =	shalt  }
0x7d: {  	_ =	shalt  }
0x7e: {  	_ =	shalt  }
0x7f: {  	_ =	shalt  }
0x80: {  	_ =	shalt  }
0x81: {  	_ =	shalt  }
0x82: {  	_ =	shalt  }
0x83: {  	_ =	shalt  }
0x84: {  	_ =	shalt  }
0x85: {  	_ =	shalt  }
0x86: {  	_ =	shalt  }
0x87: {  	_ =	shalt  }
.Lfunc_end0:
.L_simem_size_0:
called_computation.4_lowered:
.L_overlay_start_0:
0x88: {  	s2 =	sld [smem:$0x3FD9]  }
0x89: {  	s3 =	sld [smem:$0x3FFE];
	_ =	sdelay $0x1  }
0x8a: {  	s1 =	srdreg.scid  }
0x8b: {  	s0 =	sand.u32 $0x1, s1  }
0x8c: {  	s16 =	sshll.u32 s0, $0xA;
	s2 =	sadd.s32 s3, s2  }
0x8d: {  	s2 =	sadd.s32 s2, s16  }
0x8e: {  	[smem:$0x3FBE] =	sst s2  }
0x8f: {  	_ = 	snop  }
0x90: {  	(tm) =	ssettm $0x1  }
0x91: {  	s17 =	sld [smem:$0x3FFB];
	_ =	sdelay $0x3  }
0x92: {  	_ =	strace s17  }
0x93: {  	s2 =	sld [smem:$0x3FFC];
	_ =	sdelay $0x3  }
0x94: {  	_ =	strace s2  }
0x95: {  	s2 =	sld [smem:$0x3FFD];
	_ =	sdelay $0x3  }
0x96: {  	_ =	strace s2  }
0x97: {  	_ =	strace $0x8FFFFFFF  }
0x98: {  	s18 =	sld [smem:$0x3FDB];
	_ =	sdelay $0x1  }
0x99: {  	s19 =	simm.s32 $_scs_section_size  }
0x9a: {  	s4 =	simm.s32 $_size__tile_overlayer_lowered;
	s5 =	simm.s32 $_tile_overlayer_lowered  }
0x9b: {  	s22 =	simm.s32 $0x1BFF;
	s21 =	sshll.u32 s5, $0x1;
	s2 =	sadd.s32 s19, s18  }
0x9c: {  	s6 =	simm.s32 $0x0;
	s20 =	sshll.u32 s4, $0x1;
	s4 =	sadd.s32 s21, s2  }
0x9d: {  	[timem:s6], [sflag:s22] =	dma.local [hbm:s4], s20  }
0x9e: {  	_ =	swait.ge [sflag:s22], s20  }
0x9f: {  	s3 =	ssub.s32 $0x0, s20;
	[sflag:s22] =	ssyncset.done $0x0  }
0xa0: {  	[sflag:s22] =	ssyncadd.s32 s3;
	_ =	sdelay $0x1  }
0xa1: {  	s23 =	simm.s32 $0x1B8B  }
0xa2: {  	_ =	swait.ge [sflag:s23], $0x1  }
0xa3: {  	[sflag:s23] =	ssyncset.done $0x0  }
0xa4: {  	s25 =	simm.s32 $0x1B8E;
	s24 =	sld [smem:$0x3FFE];
	[sflag:s23] =	ssyncadd.s32 $0xFFFFFFFF  }
0xa5: {  	s26 =	simm.s32 $execute0_lowered;
	[smem:$0x3FD2] =	sst s25  }
0xa6: {  	s4 =	sshll.u32 s26, $0x1;
	_ =	strace $0x80000052;
	[dreg:$0x1] =	wrdreg $0xFFFFFFFF  }
0xa7: {  	s28 =	simm.s32 $_size_execute0_lowered;
	s2 =	sadd.s32 s2, s4;
	[dreg:$0x0] =	wrdreg $0x0  }
0xa8: {  	s4 =	sshll.u32 s28, $0x1;
	[dreg:$0x2] =	wrdreg s2  }
0xa9: {  	[dreg:$0x3] =	wrdreg s4  }
0xaa: {  	[dreg:$0x4] =	wrdreg $0xC0  }
0xab: {  	_ =	task [dreg:s6], $0x5FFFF  }
0xac: {  	[dreg:$0x1] =	wrdreg $0xFFFFFFFF  }
0xad: {  	[dreg:$0x0] =	wrdreg $0x60  }
0xae: {  	[dreg:$0x2] =	wrdreg s24  }
0xaf: {  	[dreg:$0x3] =	wrdreg $0x90000  }
0xb0: {  	[dreg:$0x4] =	wrdreg $0x9  }
0xb1: {  	_ =	task.clear_ibuf [dreg:s6], $0x5FFFF;
	_ =	strace $0x90000052  }
0xb2: {  	s29 =	simm.s32 $0x9;
	_ =	strace $0x80000054  }
0xb3: {  	_ =	swait.ge [sflag:s29], $0x1  }
0xb4: {  	[sflag:s29] =	ssyncadd.s32 $0xFFFFFFFF  }
0xb5: {  	_ =	strace $0x90000054  }
0xb6: {  	_ =	sfence  }
0xb7: {  	s30 =	sld [smem:$0x0];
	_ =	sdelay $0x2  }
0xb8: {  	s31 =	sshll.u32 s1, $0xD;
	s1 =	sshrl.u32 s1, $0x2  }
0xb9: {  	s3 =	sand.u32 $0x4000, s31;
	s1 =	sadd.s32 s1, s30  }
0xba: {  	s0 =	sor.u32 s3, s0;
	s1 =	sshll.u32 s1, $0x11  }
0xbb: {  	s0 =	sor.u32 s1, s0  }
0xbc: {  	s0 =	sadd.s32 $0x8F2B, s0  }
0xbd: {  	[sflag:s0] =	ssyncadd.remote.s32 $0x1  }
0xbe: {  	_ =	sfence.sel $0xFFFF  }
0xbf: {  	[dreg:$0x0] =	wrdreg $0xFFFFFFFF;
	(pc) =	sbr.abs _section_cstart, $3  }
0xc0: {  	[dreg:$0x1] =	wrdreg $0xFFFFFFFF  }
0xc1: {  	_ =	task.clear_ibuf [dreg:s6], $0x2FFFF;
	_ =	strace $0x9FFFFFFF  }
0xc2: {  	(tm) =	ssettm $0x7FFFFFFF  }
0xc3: {  	_ =	shalt  }
tec
execute0_lowered:
.L_overlay_start_1:
0x0: {  	(tag) =	ssettag $0x1  }
0x1: {  	s6 =	rddreg [dreg:$0x0]  }
0x2: {  	s2 =	rddreg [dreg:$0x1];
	s3 =	simm.s32 $0x0;
	s4 =	srdreg.scid  }
0x3: {  	s0 =	stileid.u32;
	s25 =	simm.s32 $0x5000;
	s28 =	simm.s32 $0x1  }
0x4: {  	s29 =	simm.s32 $0x0;
	[smem:$0x7FF] =	sst s3;
	s7 =	sand.u32 $0x1, s4  }
0x5: {  	s26 =	sshll.u32 s0, $0x1;
	s4 =	sadd.s32 $0x14800, s6;
	s11 =	smul.u32 $0x50000, s0  }
0x6: {  	s22 =	sadd.s32 $0x3C800, s6;
	s18 =	smul.u32 $0x14000, s0;
	_ =	strace $0x80000053  }
0x7: {  	s5 =	sor.u32 s7, s26;
	s8 =	ssub.s32 $0x2, s7;
	s19 =	smul.u32 $0x140000, s7  }
0x8: {  	s26 =	simm.s32 $0x80;
	s9 =	smul.u32 $0x500, s5;
	s5 =	sadd.s32 $0x14000, s6  }
0x9: {  	s10 =	sshrl.u32 s8, $0x1;
	s30 =	sshrl.u32 s11, $0x2;
	s15 =	sadd.s32 $0x4000, s18  }
0xa: {  	s20 =	sadd.s32 $0x8000, s18;
	s21 =	sadd.s32 $0xC000, s18;
	s23 =	sadd.s32 $0x10000, s18  }
0xb: {  	s10 =	ssub.s32 s8, s10;
	s8 =	sadd.s32 s30, s2;
	s13 =	sadd.s32 s19, s18  }
0xc: {  	s16 =	sadd.s32 s19, s15;
	s15 =	sadd.s32 s15, s2;
	s17 =	sadd.s32 s20, s2  }
0xd: {  	s20 =	sadd.s32 s19, s20;
	s31 =	sadd.s32 s19, s21;
	s24 =	sadd.s32 s19, s23  }
0xe: {  	s19 =	sadd.s32 s21, s2;
	s21 =	sadd.s32 s23, s2;
	s23 =	simm.s32 $0x2  }
0xf: {  	s6 =	sadd.s32 s6, s9;
	s9 =	smax.u32 s10, $0x1;
	s10 =	sadd.s32 $0x4000, s8  }
0x10: {  	s11 =	sadd.s32 $0x8000, s8;
	s12 =	sadd.s32 $0xC000, s8;
	s14 =	sshrl.u32 s13, $0x3  }
0x11: {  	s13 =	sadd.s32 $0x10000, s8;
	s16 =	sshrl.u32 s16, $0x3;
	s20 =	sshrl.u32 s20, $0x3  }
0x12: {  	s24 =	sshrl.u32 s24, $0x3;
	s7 =	sadd.s32 $0xA000, s6;
	s14 =	sadd.s32 s22, s14  }
0x13: {  	s16 =	sadd.s32 s22, s16;
	s18 =	sadd.s32 s22, s20;
	s20 =	sshrl.u32 s31, $0x3  }
0x14: {  	s20 =	sadd.s32 s22, s20;
	s22 =	sadd.s32 s22, s24;
	s24 =	simm.s32 $0x2800  }
.LBB2_1:
0x15: {  	[tilespmem:s3], [sflag:$0x2] =	stream.linear.gather [hbm4b:s7+s3], $0x2800, $0x38;
	[tilespmem:$0x1D000] =	vst v63  }
0x16: {  	_ =	swait.ge [sflag:s23], $0x2800  }
0x17: {  	[sflag:s23] =	ssyncset.done $0x0  }
0x18: {  	[sflag:s23] =	ssyncadd.s32 $0xFFFFD800  }
0x19: {  	[tilespmem:s24], [sflag:$0x2] =	stream.linear.gather [hbm4b:s6+s3], $0x2800, $0x38;
	[tilespmem:$0x1D000] =	vst v63  }
0x1a: {  	_ =	swait.ge [sflag:s23], $0x2800  }
0x1b: {  	[sflag:s23] =	ssyncset.done $0x0  }
0x1c: {  	[sflag:s23] =	ssyncadd.s32 $0xFFFFD800  }
0x1d: {  	[tilespmem:s25], [sflag:$0x2] =	stream.linear.gather [hbm4b:s5+s3], $0x4000, $0x38;
	[tilespmem:$0x1D000] =	vst v63  }
0x1e: {  	_ =	swait.ge [sflag:s23], $0x4000  }
0x1f: {  	[sflag:s23] =	ssyncset.done $0x0  }
0x20: {  	[sflag:s23] =	ssyncadd.s32 $0xFFFFC000  }
0x21: {  	[spmem:s8] =	stream.linear.scatter [tilespmem:s25], [sflag:$0x2], $0x4000, $0x38;
	[tilespmem:$0x1D000] =	vst v63  }
0x22: {  	_ =	swait.ge [sflag:s23], $0x4000  }
0x23: {  	[sflag:s23] =	ssyncset.done $0x0  }
0x24: {  	[sflag:s23] =	ssyncadd.s32 $0xFFFFC000  }
0x25: {  	[spmem:s10] =	stream.linear.scatter [tilespmem:s25], [sflag:$0x2], $0x4000, $0x38;
	[tilespmem:$0x1D000] =	vst v63  }
0x26: {  	_ =	swait.ge [sflag:s23], $0x4000  }
0x27: {  	[sflag:s23] =	ssyncset.done $0x0  }
0x28: {  	[sflag:s23] =	ssyncadd.s32 $0xFFFFC000  }
0x29: {  	[spmem:s11] =	stream.linear.scatter [tilespmem:s25], [sflag:$0x2], $0x4000, $0x38;
	[tilespmem:$0x1D000] =	vst v63  }
0x2a: {  	_ =	swait.ge [sflag:s23], $0x4000  }
0x2b: {  	[sflag:s23] =	ssyncset.done $0x0  }
0x2c: {  	[sflag:s23] =	ssyncadd.s32 $0xFFFFC000  }
0x2d: {  	[spmem:s12] =	stream.linear.scatter [tilespmem:s25], [sflag:$0x2], $0x4000, $0x38;
	[tilespmem:$0x1D000] =	vst v63  }
0x2e: {  	_ =	swait.ge [sflag:s23], $0x4000  }
0x2f: {  	[sflag:s23] =	ssyncset.done $0x0  }
0x30: {  	[sflag:s23] =	ssyncadd.s32 $0xFFFFC000  }
0x31: {  	[spmem:s13] =	stream.linear.scatter [tilespmem:s25], [sflag:$0x2], $0x4000, $0x38;
	[tilespmem:$0x1D000] =	vst v63  }
0x32: {  	_ =	swait.ge [sflag:s23], $0x4000  }
0x33: {  	[sflag:s23] =	ssyncset.done $0x0  }
0x34: {  	[sflag:s23] =	ssyncadd.s32 $0xFFFFC000  }
0x35: {  	s30 =	simm.s32 $0x0;
	[bflag:$0x0] =	sbarrier.arrive $0xFFFF  }
0x36: {  	[tilespmem:s25], [sflag:$0x1] =	stream.indirect.gather [hbm4b:s4+s26], $0x80, s30, s26, $0xb8;
	[tilespmem:$0x1D000] =	vst v63  }
0x37: {  	_ =	swait.ge [sflag:s28], $0x4000  }
0x38: {  	[sflag:s28] =	ssyncset.done $0x0  }
0x39: {  	s30 =	simm.s32 $0x2800;
	[sflag:s28] =	ssyncadd.s32 $0xFFFFC000  }
0x3a: {  	[spmem:s2] =	stream.indirect.scatter.add.f32 [tilespmem:s25], [sflag:$0x2], $0x80, s30, s26, $0xb8;
	[tilespmem:$0x1D000] =	vst v63  }
0x3b: {  	_ =	swait.ge [sflag:s23], $0x4000  }
0x3c: {  	s31 =	simm.s32 $0x400;
	s30 =	simm.s32 $0x200;
	[sflag:s23] =	ssyncset.done $0x0  }
.LBB2_2:
0x3d: {  	s0 =	sshra.s32 s30, $0x2  }
0x3e: {  	[sflag:s23] =	ssyncadd.s32 $0xFFFFC000;
	s30 =	smov.u32 s31;
	s1 =	sadd.s32 $0x200, s31  }
0x3f: {  	[tilespmem:s25], [sflag:$0x1] =	stream.indirect.gather [hbm4b:s4+s26], $0x80, s0, s26, $0xb8;
	[tilespmem:$0x1D000] =	vst v63  }
0x40: {  	p0 =	sne.s32 s31, $0x9E00;
	_ =	swait.ge [sflag:s28], $0x4000  }
.Ltmp0:
0x41: {  	[sflag:s28] =	ssyncset.done $0x0;
	(pc) =	sbr.rel @p0 .LBB2_2-.Ltmp0, $4  }
0x42: {  	s0 =	sadd.s32 $0x2800, s0;
	[sflag:s28] =	ssyncadd.s32 $0xFFFFC000  }
0x43: {  	[spmem:s2] =	stream.indirect.scatter.add.f32 [tilespmem:s25], [sflag:$0x2], $0x80, s0, s26, $0xb8;
	[tilespmem:$0x1D000] =	vst v63  }
0x44: {  	_ =	swait.ge [sflag:s23], $0x4000  }
0x45: {  	s31 =	smov.u32 s1;
	[sflag:s23] =	ssyncset.done $0x0  }
0x46: {  	s0 =	sshra.s32 s30, $0x2;
	[sflag:s23] =	ssyncadd.s32 $0xFFFFC000  }
0x47: {  	[tilespmem:s25], [sflag:$0x1] =	stream.indirect.gather [hbm4b:s4+s26], $0x80, s0, s26, $0xb8;
	[tilespmem:$0x1D000] =	vst v63  }
0x48: {  	_ =	swait.ge [sflag:s28], $0x4000  }
0x49: {  	[sflag:s28] =	ssyncset.done $0x0  }
0x4a: {  	s0 =	sadd.s32 $0x2800, s0;
	[sflag:s28] =	ssyncadd.s32 $0xFFFFC000  }
0x4b: {  	[spmem:s2] =	stream.indirect.scatter.add.f32 [tilespmem:s25], [sflag:$0x2], $0x80, s0, s26, $0xb8;
	[tilespmem:$0x1D000] =	vst v63  }
0x4c: {  	_ =	swait.ge [sflag:s23], $0x4000  }
0x4d: {  	[sflag:s23] =	ssyncset.done $0x0  }
0x4e: {  	[sflag:s23] =	ssyncadd.s32 $0xFFFFC000  }
0x4f: {  	[bflag:$0x0] =	sbarrier.arrive $0xFFFF  }
0x50: {  	[tilespmem:s25], [sflag:$0x2] =	stream.linear.gather [spmem:s8], $0x4000, $0x38;
	[tilespmem:$0x1D000] =	vst v63  }
0x51: {  	_ =	swait.ge [sflag:s23], $0x4000  }
0x52: {  	[sflag:s23] =	ssyncset.done $0x0  }
0x53: {  	[sflag:s23] =	ssyncadd.s32 $0xFFFFC000  }
0x54: {  	[hbm4b:s14+s3] =	stream.linear.scatter [tilespmem:s25], [sflag:$0x2], $0x4000, $0x38;
	[tilespmem:$0x1D000] =	vst v63  }
0x55: {  	_ =	swait.ge [sflag:s23], $0x4000  }
0x56: {  	[sflag:s23] =	ssyncset.done $0x0  }
0x57: {  	[sflag:s23] =	ssyncadd.s32 $0xFFFFC000  }
0x58: {  	[tilespmem:s25], [sflag:$0x2] =	stream.linear.gather [spmem:s15], $0x4000, $0x38;
	[tilespmem:$0x1D000] =	vst v63  }
0x59: {  	_ =	swait.ge [sflag:s23], $0x4000  }
0x5a: {  	[sflag:s23] =	ssyncset.done $0x0  }
0x5b: {  	[sflag:s23] =	ssyncadd.s32 $0xFFFFC000  }
0x5c: {  	[hbm4b:s16+s3] =	stream.linear.scatter [tilespmem:s25], [sflag:$0x2], $0x4000, $0x38;
	[tilespmem:$0x1D000] =	vst v63  }
0x5d: {  	_ =	swait.ge [sflag:s23], $0x4000  }
0x5e: {  	[sflag:s23] =	ssyncset.done $0x0  }
0x5f: {  	[sflag:s23] =	ssyncadd.s32 $0xFFFFC000  }
0x60: {  	[tilespmem:s25], [sflag:$0x2] =	stream.linear.gather [spmem:s17], $0x4000, $0x38;
	[tilespmem:$0x1D000] =	vst v63  }
0x61: {  	_ =	swait.ge [sflag:s23], $0x4000  }
0x62: {  	[sflag:s23] =	ssyncset.done $0x0  }
0x63: {  	[sflag:s23] =	ssyncadd.s32 $0xFFFFC000  }
0x64: {  	[hbm4b:s18+s3] =	stream.linear.scatter [tilespmem:s25], [sflag:$0x2], $0x4000, $0x38;
	[tilespmem:$0x1D000] =	vst v63  }
0x65: {  	_ =	swait.ge [sflag:s23], $0x4000  }
0x66: {  	[sflag:s23] =	ssyncset.done $0x0  }
0x67: {  	[sflag:s23] =	ssyncadd.s32 $0xFFFFC000  }
0x68: {  	[tilespmem:s25], [sflag:$0x2] =	stream.linear.gather [spmem:s19], $0x4000, $0x38;
	[tilespmem:$0x1D000] =	vst v63  }
0x69: {  	_ =	swait.ge [sflag:s23], $0x4000  }
0x6a: {  	[sflag:s23] =	ssyncset.done $0x0  }
0x6b: {  	[sflag:s23] =	ssyncadd.s32 $0xFFFFC000  }
0x6c: {  	[hbm4b:s20+s3] =	stream.linear.scatter [tilespmem:s25], [sflag:$0x2], $0x4000, $0x38;
	[tilespmem:$0x1D000] =	vst v63  }
0x6d: {  	_ =	swait.ge [sflag:s23], $0x4000  }
0x6e: {  	[sflag:s23] =	ssyncset.done $0x0  }
0x6f: {  	[sflag:s23] =	ssyncadd.s32 $0xFFFFC000  }
0x70: {  	[tilespmem:s25], [sflag:$0x2] =	stream.linear.gather [spmem:s21], $0x4000, $0x38;
	[tilespmem:$0x1D000] =	vst v63  }
0x71: {  	s29 =	sadd.s32 $0x1, s29;
	_ =	swait.ge [sflag:s23], $0x4000  }
0x72: {  	p0 =	sne.s32 s29, s9;
	[sflag:s23] =	ssyncset.done $0x0  }
.Ltmp1:
0x73: {  	[sflag:s23] =	ssyncadd.s32 $0xFFFFC000;
	(pc) =	sbr.rel @p0 .LBB2_1-.Ltmp1, $4  }
0x74: {  	[hbm4b:s22+s3] =	stream.linear.scatter [tilespmem:s25], [sflag:$0x2], $0x4000, $0x38;
	[tilespmem:$0x1D000] =	vst v63  }
0x75: {  	_ =	swait.ge [sflag:s23], $0x4000  }
0x76: {  	[sflag:s23] =	ssyncset.done $0x0  }
0x77: {  	[sflag:s23] =	ssyncadd.s32 $0xFFFFC000  }
0x78: {  	_ =	sfence.sel $0x180000  }
0x79: {  	[bflag:$0x0] =	sbarrier.arrive $0xFFFF  }
0x7a: {  	_ =	strace $0x90000053  }
0x7b: {  	s0 =	stileid.u32;
	[bflag:$0x2] =	sbarrier.arrive $0xFFFF  }
0x7c: {  	p0 =	sne.s32 s0, $0x0;
	s0 =	rddreg [dreg:$0x2]  }
0x7d: {  	s0 =	sadd.s32 @!p0 $0x100000, s0  }
0x7e: {  	[sflag:s0] =	ssyncadd.tile.s32 @!p0 $0x1;
	_ =	shalt  }
.Lfunc_end2:
_tile_overlayer_lowered:
.L_overlay_start_2:
0x7f: {  	(tag) =	ssettag $0x2  }
0x80: {  	s0 =	rddreg [dreg:$0x0];
	s2 =	stileid.u32  }
0x81: {  	s1 =	rddreg [dreg:$0x1];
	p0 =	sne.s32 s2, $0x0  }
0x82: {  	s3 =	rddreg [dreg:$0x2];
	[bflag:$0x3] =	sbarrier.arrive $0xFFFF;
	s2 =	simm.s32 @!p0 $0x1C02  }
0x83: {  	[timem:s3], [sflag:s2] =	dma.local @!p0 [hbm:s0], s1  }
0x84: {  	s0 =	simm.s32 @!p0 $0x2  }
0x85: {  	_ =	swait.ge @!p0 [sflag:s0], s1  }
0x86: {  	s1 =	ssub.s32 @!p0 $0x0, s1;
	[sflag:s0] =	ssyncset.done @!p0 $0x0  }
0x87: {  	[sflag:s0] =	ssyncadd.s32 @!p0 s1  }
0x88: {  	[bflag:$0x3] =	sbarrier.arrive $0xFFFF  }
0x89: {  	_ =	shalt  }

</sc_bundles>
